<compile_context>
chip_gen: v7x
topology: tpu7x:2x2x1
jax: 0.10.2.dev20260603
libtpu: 0.0.44.dev20260713+nightly
codegen_flags: <defaults>
</compile_context>

<pallas_src>
import functools

import jax
import jax.numpy as jnp
from jax import lax
from jax.experimental import pallas as pl
from jax.experimental.pallas import tpu as pltpu
from jax.experimental.pallas import tpu_sc as plsc

_N = 10000
_E = 320000
_D = 128

_K = 40
_TILES = 16
_EPT = _E // _TILES
_CHUNKS = _EPT // _K
_NP = 10240
_RPT = _NP // _TILES
_ZR = 128

_DOT_T = (((1,), (1,)), ((), ()))


def _node_proj_body(h_ref, w1a_ref, w1b_ref, a_ref, b_ref):
    hb = h_ref[...]
    a_ref[...] = lax.dot_general(hb, w1a_ref[...], _DOT_T,
                                 preferred_element_type=jnp.float32)
    b_ref[...] = lax.dot_general(hb, w1b_ref[...], _DOT_T,
                                 preferred_element_type=jnp.float32)


def _edge_proj_body(x_ref, w1c_ref, b1_ref, c_ref):
    c_ref[...] = lax.dot_general(x_ref[...], w1c_ref[...], _DOT_T,
                                 preferred_element_type=jnp.float32) + b1_ref[...]


def _node_update_body(h_ref, g0_ref, g1_ref, d0_ref, d1_ref, w2_ref, b2_ref,
                      u1_ref, ub1_ref, u2_ref, ub2_ref, lg_ref, lb_ref, o_ref):
    hb = h_ref[...]
    w2 = w2_ref[...]
    b2 = b2_ref[...]
    in_deg = d0_ref[:, 0:1]
    out_deg = d1_ref[:, 0:1]
    incoming = (lax.dot_general(g0_ref[...], w2, _DOT_T,
                                preferred_element_type=jnp.float32)
                + in_deg * b2)
    outgoing = (lax.dot_general(g1_ref[...], w2, _DOT_T,
                                preferred_element_type=jnp.float32)
                + out_deg * b2)
    incoming = incoming / jnp.maximum(in_deg, 1.0)
    outgoing = outgoing / jnp.maximum(out_deg, 1.0)
    u1 = u1_ref[...]
    u_hid = jnp.maximum(
        lax.dot_general(hb, u1[:, :128], _DOT_T,
                        preferred_element_type=jnp.float32)
        + lax.dot_general(incoming, u1[:, 128:256], _DOT_T,
                          preferred_element_type=jnp.float32)
        + lax.dot_general(outgoing, u1[:, 256:384], _DOT_T,
                          preferred_element_type=jnp.float32)
        + ub1_ref[...], 0.0)
    updated = lax.dot_general(u_hid, u2_ref[...], _DOT_T,
                              preferred_element_type=jnp.float32) + ub2_ref[...]
    y = hb + updated
    mean = jnp.mean(y, axis=-1, keepdims=True)
    var = jnp.mean((y - mean) ** 2, axis=-1, keepdims=True)
    o_ref[...] = (y - mean) * lax.rsqrt(var + 1e-5) * lg_ref[...] + lb_ref[...]


def _sc_edge_aggregate(a, b, c, src, dst):
    mesh = plsc.VectorSubcoreMesh(core_axis_name="c", subcore_axis_name="s",
                                  num_cores=2, num_subcores=_TILES)

    @functools.partial(
        pl.kernel,
        out_type=[jax.ShapeDtypeStruct((_NP, _D), jnp.float32),
                  jax.ShapeDtypeStruct((_NP, _D), jnp.float32),
                  jax.ShapeDtypeStruct((_NP, _D), jnp.float32),
                  jax.ShapeDtypeStruct((_NP, _D), jnp.float32)],
        mesh=mesh,
        scratch_types=[
            pltpu.VMEM((_K,), jnp.int32),
            pltpu.VMEM((_K,), jnp.int32),
            pltpu.VMEM((_K,), jnp.int32),
            pltpu.VMEM((_K, _D), jnp.float32),
            pltpu.VMEM((_K, _D), jnp.float32),
            pltpu.VMEM((_K, _D), jnp.float32),
            pltpu.VMEM((_K, _D), jnp.float32),
            pltpu.VMEM((_ZR, _D), jnp.float32),
            pltpu.VMEM((_K, _D), jnp.float32),
            pltpu.VMEM_SHARED((_NP, _D), jnp.float32),
            pltpu.SemaphoreType.DMA,
            pltpu.SemaphoreType.DMA,
            pltpu.SemaphoreType.DMA,
        ],
    )
    def sc_kernel(a_hbm, b_hbm, c_hbm, src_hbm, dst_hbm, agg_in_hbm,
                  agg_out_hbm, deg_in_hbm, deg_out_hbm, src_v, dst_v, scat_v,
                  av, bv, cv, hv, zv, ov, acc, sem_a, sem_b, sem_c):
        cid = lax.axis_index("c")
        sid = lax.axis_index("s")

        zvec = jnp.zeros((16,), jnp.float32)
        onevec = jnp.full((16,), 1.0, jnp.float32)

        def zb_body(t, _):
            zv[t // 8, pl.ds((t % 8) * 16, 16)] = zvec
            return 0
        lax.fori_loop(0, _ZR * 8, zb_body, 0)

        def ob_body(t, _):
            ov[t // 8, pl.ds((t % 8) * 16, 16)] = onevec
            return 0
        lax.fori_loop(0, _K * 8, ob_body, 0)

        row0 = sid * _RPT

        def zero_acc():
            def zacc_body(t, _):
                pltpu.sync_copy(zv, acc.at[pl.ds(row0 + t * _ZR, _ZR)])
                return 0
            lax.fori_loop(0, _RPT // _ZR, zacc_body, 0)

        zero_acc()
        plsc.subcore_barrier()

        def load_scat_idx(base):
            @pl.when(cid == 0)
            def _():
                pltpu.sync_copy(dst_hbm.at[pl.ds(base, _K)], scat_v)

            @pl.when(cid == 1)
            def _():
                pltpu.sync_copy(src_hbm.at[pl.ds(base, _K)], scat_v)

        def deg_chunk(i, _):
            base = sid * _EPT + i * _K
            load_scat_idx(base)
            pltpu.sync_copy(ov, acc.at[scat_v], add=True)
            return 0
        lax.fori_loop(0, _CHUNKS, deg_chunk, 0)

        plsc.subcore_barrier()

        @pl.when(cid == 0)
        def _():
            pltpu.sync_copy(acc.at[pl.ds(row0, _RPT)],
                            deg_in_hbm.at[pl.ds(row0, _RPT)])

        @pl.when(cid == 1)
        def _():
            pltpu.sync_copy(acc.at[pl.ds(row0, _RPT)],
                            deg_out_hbm.at[pl.ds(row0, _RPT)])

        plsc.subcore_barrier()
        zero_acc()
        plsc.subcore_barrier()

        plsc.subcore_barrier()

        def chunk_body(i, _):
            base = sid * _EPT + i * _K
            pltpu.sync_copy(src_hbm.at[pl.ds(base, _K)], src_v)
            pltpu.sync_copy(dst_hbm.at[pl.ds(base, _K)], dst_v)
            load_scat_idx(base)
            cp_a = pltpu.async_copy(a_hbm.at[src_v], av, sem_a)
            cp_b = pltpu.async_copy(b_hbm.at[dst_v], bv, sem_b)
            cp_c = pltpu.async_copy(c_hbm.at[pl.ds(base, _K)], cv, sem_c)
            cp_a.wait()
            cp_b.wait()
            cp_c.wait()

            def row_body(r, _):
                for j in range(_D // 16):
                    s = pl.ds(j * 16, 16)
                    hv[r, s] = jnp.maximum(av[r, s] + bv[r, s] + cv[r, s], 0.0)
                return 0
            lax.fori_loop(0, _K, row_body, 0)

            pltpu.sync_copy(hv, acc.at[scat_v], add=True)
            return 0
        lax.fori_loop(0, _CHUNKS, chunk_body, 0)

        plsc.subcore_barrier()

        @pl.when(cid == 0)
        def _():
            pltpu.sync_copy(acc.at[pl.ds(row0, _RPT)],
                            agg_in_hbm.at[pl.ds(row0, _RPT)])

        @pl.when(cid == 1)
        def _():
            pltpu.sync_copy(acc.at[pl.ds(row0, _RPT)],
                            agg_out_hbm.at[pl.ds(row0, _RPT)])

    return sc_kernel(a, b, c, src, dst)


def kernel(h, edge_index, edge_x, ep_w1, ep_b1, ep_w2, ep_b2,
           up_w1, up_b1, up_w2, up_b2, ln_g, ln_b):
    w1a = ep_w1[:, :_D]
    w1b = ep_w1[:, _D:2 * _D]
    w1c = ep_w1[:, 2 * _D:]
    b1 = ep_b1.reshape(1, _D)

    nblk = 1000
    a, b = pl.pallas_call(
        _node_proj_body,
        grid=(_N // nblk,),
        in_specs=[
            pl.BlockSpec((nblk, _D), lambda i: (i, 0)),
            pl.BlockSpec((_D, _D), lambda i: (0, 0)),
            pl.BlockSpec((_D, _D), lambda i: (0, 0)),
        ],
        out_specs=[
            pl.BlockSpec((nblk, _D), lambda i: (i, 0)),
            pl.BlockSpec((nblk, _D), lambda i: (i, 0)),
        ],
        out_shape=[jax.ShapeDtypeStruct((_N, _D), jnp.float32),
                   jax.ShapeDtypeStruct((_N, _D), jnp.float32)],
    )(h, w1a, w1b)

    eblk = 2560
    c = pl.pallas_call(
        _edge_proj_body,
        grid=(_E // eblk,),
        in_specs=[
            pl.BlockSpec((eblk, _D), lambda i: (i, 0)),
            pl.BlockSpec((_D, _D), lambda i: (0, 0)),
            pl.BlockSpec((1, _D), lambda i: (0, 0)),
        ],
        out_specs=pl.BlockSpec((eblk, _D), lambda i: (i, 0)),
        out_shape=jax.ShapeDtypeStruct((_E, _D), jnp.float32),
    )(edge_x, w1c, b1)

    agg_in, agg_out, deg_in, deg_out = _sc_edge_aggregate(
        a, b, c, edge_index[0], edge_index[1])

    out = pl.pallas_call(
        _node_update_body,
        grid=(_N // nblk,),
        in_specs=[
            pl.BlockSpec((nblk, _D), lambda i: (i, 0)),
            pl.BlockSpec((nblk, _D), lambda i: (i, 0)),
            pl.BlockSpec((nblk, _D), lambda i: (i, 0)),
            pl.BlockSpec((nblk, _D), lambda i: (i, 0)),
            pl.BlockSpec((nblk, _D), lambda i: (i, 0)),
            pl.BlockSpec((_D, _D), lambda i: (0, 0)),
            pl.BlockSpec((1, _D), lambda i: (0, 0)),
            pl.BlockSpec((_D, 3 * _D), lambda i: (0, 0)),
            pl.BlockSpec((1, _D), lambda i: (0, 0)),
            pl.BlockSpec((_D, _D), lambda i: (0, 0)),
            pl.BlockSpec((1, _D), lambda i: (0, 0)),
            pl.BlockSpec((1, _D), lambda i: (0, 0)),
            pl.BlockSpec((1, _D), lambda i: (0, 0)),
        ],
        out_specs=pl.BlockSpec((nblk, _D), lambda i: (i, 0)),
        out_shape=jax.ShapeDtypeStruct((_N, _D), jnp.float32),
    )(h, agg_in, agg_out, deg_in, deg_out,
      ep_w2, ep_b2.reshape(1, _D), up_w1, up_b1.reshape(1, _D), up_w2,
      up_b2.reshape(1, _D), ln_g.reshape(1, _D), ln_b.reshape(1, _D))
    return out

# --- scband reference (transcript-rebuilt; emitter-appended) ---
"""Pipeline reference for scband-edge-message-layer-65257733095556 (READ-ONLY COPY).

The authoritative reference and input builder live on the scoring server;
editing this copy changes nothing except your own understanding.
"""

import jax, jax.numpy as jnp
import numpy as np

N = 10000
E = 320000
D = 128


def setup_inputs(seed: int = 0) -> dict:
    key = jax.random.key(seed)
    ks = jax.random.split(key, 16)
    h = jax.random.normal(ks[0], (N, D), dtype=jnp.float32)
    edge_index = jax.random.randint(ks[1], (2, E), 0, N, dtype=jnp.int32)
    edge_x = jax.random.normal(ks[2], (E, D), dtype=jnp.float32)
    s1 = 1.0 / np.sqrt(3 * D)
    s2 = 1.0 / np.sqrt(D)
    ep_w1 = jax.random.normal(ks[3], (D, 3 * D), dtype=jnp.float32) * s1
    ep_b1 = jnp.zeros((D,), dtype=jnp.float32)
    ep_w2 = jax.random.normal(ks[4], (D, D), dtype=jnp.float32) * s2
    ep_b2 = jnp.zeros((D,), dtype=jnp.float32)
    up_w1 = jax.random.normal(ks[5], (D, 3 * D), dtype=jnp.float32) * s1
    up_b1 = jnp.zeros((D,), dtype=jnp.float32)
    up_w2 = jax.random.normal(ks[6], (D, D), dtype=jnp.float32) * s2
    up_b2 = jnp.zeros((D,), dtype=jnp.float32)
    ln_g = jnp.ones((D,), dtype=jnp.float32)
    ln_b = jnp.zeros((D,), dtype=jnp.float32)
    return {"h": h, "edge_index": edge_index, "edge_x": edge_x,
            "ep_w1": ep_w1, "ep_b1": ep_b1, "ep_w2": ep_w2, "ep_b2": ep_b2,
            "up_w1": up_w1, "up_b1": up_b1, "up_w2": up_w2, "up_b2": up_b2,
            "ln_g": ln_g, "ln_b": ln_b}


def reference(h, edge_index, edge_x, ep_w1, ep_b1, ep_w2, ep_b2,
              up_w1, up_b1, up_w2, up_b2, ln_g, ln_b):
    src = edge_index[0]
    dst = edge_index[1]
    n = h.shape[0]
    # edge messages: MLP over [h[src], h[dst], edge_x]
    m_in = jnp.concatenate([h[src], h[dst], edge_x], axis=-1)
    hid = jnp.maximum(m_in @ ep_w1.T + ep_b1, 0.0)
    messages = hid @ ep_w2.T + ep_b2
    # scatter-add aggregation
    incoming = jnp.zeros_like(h).at[dst].add(messages)
    outgoing = jnp.zeros_like(h).at[src].add(messages)
    in_deg = jnp.clip(jnp.bincount(dst, length=n), 1, None).astype(jnp.float32)[:, None]
    out_deg = jnp.clip(jnp.bincount(src, length=n), 1, None).astype(jnp.float32)[:, None]
    u_in = jnp.concatenate([h, incoming / in_deg, outgoing / out_deg], axis=-1)
    u_hid = jnp.maximum(u_in @ up_w1.T + up_b1, 0.0)
    updated = u_hid @ up_w2.T + up_b2
    y = h + updated
    mean = jnp.mean(y, axis=-1, keepdims=True)
    var = jnp.var(y, axis=-1, keepdims=True)
    return (y - mean) / jnp.sqrt(var + 1e-5) * ln_g + ln_b

if __name__ == "__main__":
    import jax
    _d = setup_inputs()
    print(jax.jit(kernel)(*tuple(_d.values())))

</pallas_src>

<mosaic_0001>
#map = affine_map<(d0, d1) -> (0, 0)>
#map1 = affine_map<(d0, d1) -> (0)>
module attributes {stable_mosaic.version = 14 : i64} {
  func.func @sc_kernel(%arg0: i32, %arg1: i32, %arg2: memref<10000x128xf32, #tpu.memory_space<hbm>>, %arg3: memref<10000x128xf32, #tpu.memory_space<hbm>>, %arg4: memref<320000x128xf32, #tpu.memory_space<hbm>>, %arg5: memref<320000xi32, #tpu.memory_space<hbm>>, %arg6: memref<320000xi32, #tpu.memory_space<hbm>>, %arg7: memref<10240x128xf32, #tpu.memory_space<hbm>>, %arg8: memref<10240x128xf32, #tpu.memory_space<hbm>>, %arg9: memref<10240x128xf32, #tpu.memory_space<hbm>>, %arg10: memref<10240x128xf32, #tpu.memory_space<hbm>>, %arg11: memref<40xi32, #tpu.memory_space<vmem>>, %arg12: memref<40xi32, #tpu.memory_space<vmem>>, %arg13: memref<40xi32, #tpu.memory_space<vmem>>, %arg14: memref<40x128xf32, #tpu.memory_space<vmem>>, %arg15: memref<40x128xf32, #tpu.memory_space<vmem>>, %arg16: memref<40x128xf32, #tpu.memory_space<vmem>>, %arg17: memref<40x128xf32, #tpu.memory_space<vmem>>, %arg18: memref<128x128xf32, #tpu.memory_space<vmem>>, %arg19: memref<40x128xf32, #tpu.memory_space<vmem>>, %arg20: memref<10240x128xf32, #tpu.memory_space<vmem_shared>>, %arg21: memref<!tpu.dma_semaphore, #tpu.memory_space<semaphore_mem>>, %arg22: memref<!tpu.dma_semaphore, #tpu.memory_space<semaphore_mem>>, %arg23: memref<!tpu.dma_semaphore, #tpu.memory_space<semaphore_mem>>) attributes {dimension_semantics = [#tpu.dimension_semantics<core_parallel>, #tpu.dimension_semantics<subcore_parallel>], iteration_bounds = array<i64: 2, 16>, scalar_prefetch = 0 : i64, scratch_operands = 13 : i64, tpu.core_type = #tpu.core_type<sc_vector_subcore>, window_params = [{transform_indices = #map}, {transform_indices = #map}, {transform_indices = #map}, {transform_indices = #map1}, {transform_indices = #map1}, {transform_indices = #map}, {transform_indices = #map}, {transform_indices = #map}, {transform_indices = #map}]} {
    %broadcast_in_dim3A = arith.constant 0.000000e+00 : f32
    %broadcast_in_dim3A_0 = vector.broadcast %broadcast_in_dim3A : f32 to vector<16xf32>
    %broadcast_in_dim3A_1 = arith.constant 1.000000e+00 : f32
    %broadcast_in_dim3A_2 = vector.broadcast %broadcast_in_dim3A_1 : f32 to vector<16xf32>
    %scan3A = arith.constant 0 : i32
    %scan3A_3 = arith.constant 0 : i32
    %scan3A_4 = arith.constant 1024 : i32
    %scan3A_5 = arith.addi %scan3A_3, %scan3A_4 : i32
    %scan3A_6 = arith.constant 1 : i32
    %scan3A_7 = scf.for %scan3A_67 = %scan3A_3 to %scan3A_5 step %scan3A_6 iter_args(%scan3A_68 = %scan3A) -> (i32)  : i32 {
      %jit3A = arith.constant 8 : i32
      %div3A = arith.divsi %scan3A_67, %jit3A : i32
      %sign3A = arith.constant 0 : i32
      %sign3A_69 = arith.cmpi sgt, %scan3A_67, %sign3A : i32
      %sign3A_70 = arith.extui %sign3A_69 : i1 to i32
      %sign3A_71 = arith.constant 0 : i32
      %sign3A_72 = arith.cmpi slt, %scan3A_67, %sign3A_71 : i32
      %sign3A_73 = arith.extui %sign3A_72 : i1 to i32
      %sign3A_74 = arith.subi %sign3A_70, %sign3A_73 : i32
      %sign3A_75 = arith.constant 0 : i32
      %sign3A_76 = arith.cmpi sgt, %jit3A, %sign3A_75 : i32
      %sign3A_77 = arith.extui %sign3A_76 : i1 to i32
      %sign3A_78 = arith.constant 0 : i32
      %sign3A_79 = arith.cmpi slt, %jit3A, %sign3A_78 : i32
      %sign3A_80 = arith.extui %sign3A_79 : i1 to i32
      %sign3A_81 = arith.subi %sign3A_77, %sign3A_80 : i32
      %ne3A = arith.cmpi ne, %sign3A_74, %sign3A_81 : i32
      %rem3A = arith.remsi %scan3A_67, %jit3A : i32
      %ne3A_82 = arith.constant 0 : i32
      %ne3A_83 = arith.cmpi ne, %rem3A, %ne3A_82 : i32
      %and3A = arith.andi %ne3A, %ne3A_83 : i1
      %sub3A = arith.constant 1 : i32
      %sub3A_84 = arith.subi %div3A, %sub3A : i32
      %select_n3A = arith.select %and3A, %sub3A_84, %div3A : i32
      %jit3A_85 = arith.constant 8 : i32
      %eq3A_86 = arith.constant 0 : i32
      %eq3A_87 = arith.cmpi eq, %jit3A_85, %eq3A_86 : i32
      %jit3A_88 = arith.constant 1 : i32
      %select_n3A_89 = arith.select %eq3A_87, %jit3A_88, %jit3A_85 : i32
      %rem3A_90 = arith.remsi %scan3A_67, %select_n3A_89 : i32
      %ne3A_91 = arith.constant 0 : i32
      %ne3A_92 = arith.cmpi ne, %rem3A_90, %ne3A_91 : i32
      %lt3A = arith.constant 0 : i32
      %lt3A_93 = arith.cmpi slt, %rem3A_90, %lt3A : i32
      %lt3A_94 = arith.constant 0 : i32
      %lt3A_95 = arith.cmpi slt, %select_n3A_89, %lt3A_94 : i32
      %ne3A_96 = arith.xori %lt3A_93, %lt3A_95 : i1
      %and3A_97 = arith.andi %ne3A_96, %ne3A_92 : i1
      %add3A = arith.addi %rem3A_90, %select_n3A_89 : i32
      %select_n3A_98 = arith.select %and3A_97, %add3A, %rem3A_90 : i32
      %mul3A_99 = arith.constant 16 : i32
      %mul3A_100 = arith.muli %select_n3A_98, %mul3A_99 : i32
      %swap3A = arith.index_cast %select_n3A : i32 to index
      %swap3A_101 = arith.index_cast %mul3A_100 : i32 to index
      %swap3A_102 = tpu.vector_load %arg18[%swap3A, %swap3A_101] {strides = array<i32>} : memref<128x128xf32, #tpu.memory_space<vmem>>, vector<1x16xf32>,
      %swap3A_103 = vector.shape_cast %swap3A_102 : vector<1x16xf32> to vector<16xf32>
      %swap3A_104 = vector.shape_cast %broadcast_in_dim3A_0 : vector<16xf32> to vector<1x16xf32>
      tpu.vector_store %arg18[%swap3A, %swap3A_101], %swap3A_104 {strides = array<i32>} : memref<128x128xf32, #tpu.memory_space<vmem>>, vector<1x16xf32>,
      %scan3A_105 = arith.constant 0 : i32
      scf.yield %scan3A_105 : i32
    }
    %scan3A_8 = arith.constant 1024 : i32
    %scan3A_9 = arith.constant 0 : i32
    %scan3A_10 = arith.constant 0 : i32
    %scan3A_11 = arith.constant 320 : i32
    %scan3A_12 = arith.addi %scan3A_10, %scan3A_11 : i32
    %scan3A_13 = arith.constant 1 : i32
    %scan3A_14 = scf.for %scan3A_67 = %scan3A_10 to %scan3A_12 step %scan3A_13 iter_args(%scan3A_68 = %scan3A_9) -> (i32)  : i32 {
      %jit3A = arith.constant 8 : i32
      %div3A = arith.divsi %scan3A_67, %jit3A : i32
      %sign3A = arith.constant 0 : i32
      %sign3A_69 = arith.cmpi sgt, %scan3A_67, %sign3A : i32
      %sign3A_70 = arith.extui %sign3A_69 : i1 to i32
      %sign3A_71 = arith.constant 0 : i32
      %sign3A_72 = arith.cmpi slt, %scan3A_67, %sign3A_71 : i32
      %sign3A_73 = arith.extui %sign3A_72 : i1 to i32
      %sign3A_74 = arith.subi %sign3A_70, %sign3A_73 : i32
      %sign3A_75 = arith.constant 0 : i32
      %sign3A_76 = arith.cmpi sgt, %jit3A, %sign3A_75 : i32
      %sign3A_77 = arith.extui %sign3A_76 : i1 to i32
      %sign3A_78 = arith.constant 0 : i32
      %sign3A_79 = arith.cmpi slt, %jit3A, %sign3A_78 : i32
      %sign3A_80 = arith.extui %sign3A_79 : i1 to i32
      %sign3A_81 = arith.subi %sign3A_77, %sign3A_80 : i32
      %ne3A = arith.cmpi ne, %sign3A_74, %sign3A_81 : i32
      %rem3A = arith.remsi %scan3A_67, %jit3A : i32
      %ne3A_82 = arith.constant 0 : i32
      %ne3A_83 = arith.cmpi ne, %rem3A, %ne3A_82 : i32
      %and3A = arith.andi %ne3A, %ne3A_83 : i1
      %sub3A = arith.constant 1 : i32
      %sub3A_84 = arith.subi %div3A, %sub3A : i32
      %select_n3A = arith.select %and3A, %sub3A_84, %div3A : i32
      %jit3A_85 = arith.constant 8 : i32
      %eq3A_86 = arith.constant 0 : i32
      %eq3A_87 = arith.cmpi eq, %jit3A_85, %eq3A_86 : i32
      %jit3A_88 = arith.constant 1 : i32
      %select_n3A_89 = arith.select %eq3A_87, %jit3A_88, %jit3A_85 : i32
      %rem3A_90 = arith.remsi %scan3A_67, %select_n3A_89 : i32
      %ne3A_91 = arith.constant 0 : i32
      %ne3A_92 = arith.cmpi ne, %rem3A_90, %ne3A_91 : i32
      %lt3A = arith.constant 0 : i32
      %lt3A_93 = arith.cmpi slt, %rem3A_90, %lt3A : i32
      %lt3A_94 = arith.constant 0 : i32
      %lt3A_95 = arith.cmpi slt, %select_n3A_89, %lt3A_94 : i32
      %ne3A_96 = arith.xori %lt3A_93, %lt3A_95 : i1
      %and3A_97 = arith.andi %ne3A_96, %ne3A_92 : i1
      %add3A = arith.addi %rem3A_90, %select_n3A_89 : i32
      %select_n3A_98 = arith.select %and3A_97, %add3A, %rem3A_90 : i32
      %mul3A_99 = arith.constant 16 : i32
      %mul3A_100 = arith.muli %select_n3A_98, %mul3A_99 : i32
      %swap3A = arith.index_cast %select_n3A : i32 to index
      %swap3A_101 = arith.index_cast %mul3A_100 : i32 to index
      %swap3A_102 = tpu.vector_load %arg19[%swap3A, %swap3A_101] {strides = array<i32>} : memref<40x128xf32, #tpu.memory_space<vmem>>, vector<1x16xf32>,
      %swap3A_103 = vector.shape_cast %swap3A_102 : vector<1x16xf32> to vector<16xf32>
      %swap3A_104 = vector.shape_cast %broadcast_in_dim3A_2 : vector<16xf32> to vector<1x16xf32>
      tpu.vector_store %arg19[%swap3A, %swap3A_101], %swap3A_104 {strides = array<i32>} : memref<40x128xf32, #tpu.memory_space<vmem>>, vector<1x16xf32>,
      %scan3A_105 = arith.constant 0 : i32
      scf.yield %scan3A_105 : i32
    }
    %scan3A_15 = arith.constant 320 : i32
    %mul3A = arith.constant 640 : i32
    %mul3A_16 = arith.muli %arg1, %mul3A : i32
    %scan3A_17 = arith.constant 0 : i32
    %scan3A_18 = arith.constant 0 : i32
    %scan3A_19 = arith.constant 5 : i32
    %scan3A_20 = arith.addi %scan3A_18, %scan3A_19 : i32
    %scan3A_21 = arith.constant 1 : i32
    %scan3A_22 = scf.for %scan3A_67 = %scan3A_18 to %scan3A_20 step %scan3A_21 iter_args(%scan3A_68 = %scan3A_17) -> (i32)  : i32 {
      %mul3A_69 = arith.constant 128 : i32
      %mul3A_70 = arith.muli %scan3A_67, %mul3A_69 : i32
      %add3A = arith.addi %mul3A_16, %mul3A_70 : i32
      "tpu.region"() ({
        %run_scoped3A = tpu.sem_alloc : memref<!tpu.dma_semaphore, #tpu.memory_space<semaphore_mem>>
        %dma_start3A = arith.constant 0 : i32
        %dma_start3A_72 = tpu.memref_slice %arg20[%add3A, %dma_start3A] : memref<10240x128xf32, #tpu.memory_space<vmem_shared>> -> memref<128x128xf32, #tpu.memory_space<vmem_shared>>
        %dma_start3A_73 = arith.constant 0 : i32
        %dma_start3A_74 = tpu.memref_slice %arg20[%add3A, %dma_start3A_73] : memref<10240x128xf32, #tpu.memory_space<vmem_shared>> -> memref<128x128xf32, #tpu.memory_space<vmem_shared>>
        tpu.enqueue_dma source(%arg18 : memref<128x128xf32, #tpu.memory_space<vmem>>) target(%dma_start3A_74 : memref<128x128xf32, #tpu.memory_space<vmem_shared>>) target_semaphore(%run_scoped3A : memref<!tpu.dma_semaphore, #tpu.memory_space<semaphore_mem>>)
        %dma_wait3A = arith.constant 0 : i32
        %dma_wait3A_75 = tpu.memref_slice %arg20[%add3A, %dma_wait3A] : memref<10240x128xf32, #tpu.memory_space<vmem_shared>> -> memref<128x128xf32, #tpu.memory_space<vmem_shared>>
        %dma_wait3A_76 = arith.constant 0 : i32
        %dma_wait3A_77 = tpu.memref_slice %arg20[%add3A, %dma_wait3A_76] : memref<10240x128xf32, #tpu.memory_space<vmem_shared>> -> memref<128x128xf32, #tpu.memory_space<vmem_shared>>
        tpu.wait_dma2 semaphore(%run_scoped3A : memref<!tpu.dma_semaphore, #tpu.memory_space<semaphore_mem>>) src(%arg18 : memref<128x128xf32, #tpu.memory_space<vmem>>) dst(%dma_wait3A_77 : memref<128x128xf32, #tpu.memory_space<vmem_shared>>)
        tpu.yield
      }) : () -> ()
      %scan3A_71 = arith.constant 0 : i32
      scf.yield %scan3A_71 : i32
    }
    %scan3A_23 = arith.constant 5 : i32
    %barrier3A = arith.constant 0 : index
    tpu.barrier barrier_id(%barrier3A)
    %scan3A_24 = arith.constant 0 : i32
    %scan3A_25 = arith.constant 0 : i32
    %scan3A_26 = arith.constant 500 : i32
    %scan3A_27 = arith.addi %scan3A_25, %scan3A_26 : i32
    %scan3A_28 = arith.constant 1 : i32
    %scan3A_29 = scf.for %scan3A_67 = %scan3A_25 to %scan3A_27 step %scan3A_28 iter_args(%scan3A_68 = %scan3A_24) -> (i32)  : i32 {
      %mul3A_69 = arith.constant 20000 : i32
      %mul3A_70 = arith.muli %arg1, %mul3A_69 : i32
      %mul3A_71 = arith.constant 40 : i32
      %mul3A_72 = arith.muli %scan3A_67, %mul3A_71 : i32
      %add3A = arith.addi %mul3A_70, %mul3A_72 : i32
      %eq3A_73 = arith.constant 0 : i32
      %eq3A_74 = arith.cmpi eq, %arg0, %eq3A_73 : i32
      %convert_element_type3A_75 = arith.extui %eq3A_74 : i1 to i32
      %cond3A_76 = arith.constant 0 : i32
      %cond3A_77 = arith.cmpi ne, %convert_element_type3A_75, %cond3A_76 : i32
      scf.if %cond3A_77 {
        "tpu.region"() ({
          %run_scoped3A = tpu.sem_alloc : memref<!tpu.dma_semaphore, #tpu.memory_space<semaphore_mem>>
          %dma_start3A = tpu.memref_slice %arg6[%add3A] : memref<320000xi32, #tpu.memory_space<hbm>> -> memref<40xi32, #tpu.memory_space<hbm>>
          %dma_start3A_84 = tpu.memref_slice %arg6[%add3A] : memref<320000xi32, #tpu.memory_space<hbm>> -> memref<40xi32, #tpu.memory_space<hbm>>
          tpu.enqueue_dma source(%dma_start3A_84 : memref<40xi32, #tpu.memory_space<hbm>>) target(%arg13 : memref<40xi32, #tpu.memory_space<vmem>>) target_semaphore(%run_scoped3A : memref<!tpu.dma_semaphore, #tpu.memory_space<semaphore_mem>>)
          %dma_wait3A = tpu.memref_slice %arg6[%add3A] : memref<320000xi32, #tpu.memory_space<hbm>> -> memref<40xi32, #tpu.memory_space<hbm>>
          %dma_wait3A_85 = tpu.memref_slice %arg6[%add3A] : memref<320000xi32, #tpu.memory_space<hbm>> -> memref<40xi32, #tpu.memory_space<hbm>>
          tpu.wait_dma2 semaphore(%run_scoped3A : memref<!tpu.dma_semaphore, #tpu.memory_space<semaphore_mem>>) src(%dma_wait3A_85 : memref<40xi32, #tpu.memory_space<hbm>>) dst(%arg13 : memref<40xi32, #tpu.memory_space<vmem>>)
          tpu.yield
        }) : () -> ()
      } else {
      }
      %eq3A_78 = arith.constant 1 : i32
      %eq3A_79 = arith.cmpi eq, %arg0, %eq3A_78 : i32
      %convert_element_type3A_80 = arith.extui %eq3A_79 : i1 to i32
      %cond3A_81 = arith.constant 0 : i32
      %cond3A_82 = arith.cmpi ne, %convert_element_type3A_80, %cond3A_81 : i32
      scf.if %cond3A_82 {
        "tpu.region"() ({
          %run_scoped3A = tpu.sem_alloc : memref<!tpu.dma_semaphore, #tpu.memory_space<semaphore_mem>>
          %dma_start3A = tpu.memref_slice %arg5[%add3A] : memref<320000xi32, #tpu.memory_space<hbm>> -> memref<40xi32, #tpu.memory_space<hbm>>
          %dma_start3A_84 = tpu.memref_slice %arg5[%add3A] : memref<320000xi32, #tpu.memory_space<hbm>> -> memref<40xi32, #tpu.memory_space<hbm>>
          tpu.enqueue_dma source(%dma_start3A_84 : memref<40xi32, #tpu.memory_space<hbm>>) target(%arg13 : memref<40xi32, #tpu.memory_space<vmem>>) target_semaphore(%run_scoped3A : memref<!tpu.dma_semaphore, #tpu.memory_space<semaphore_mem>>)
          %dma_wait3A = tpu.memref_slice %arg5[%add3A] : memref<320000xi32, #tpu.memory_space<hbm>> -> memref<40xi32, #tpu.memory_space<hbm>>
          %dma_wait3A_85 = tpu.memref_slice %arg5[%add3A] : memref<320000xi32, #tpu.memory_space<hbm>> -> memref<40xi32, #tpu.memory_space<hbm>>
          tpu.wait_dma2 semaphore(%run_scoped3A : memref<!tpu.dma_semaphore, #tpu.memory_space<semaphore_mem>>) src(%dma_wait3A_85 : memref<40xi32, #tpu.memory_space<hbm>>) dst(%arg13 : memref<40xi32, #tpu.memory_space<vmem>>)
          tpu.yield
        }) : () -> ()
      } else {
      }
      "tpu.region"() ({
        %run_scoped3A = tpu.sem_alloc : memref<!tpu.dma_semaphore, #tpu.memory_space<semaphore_mem>>
        %dma_start3A = arith.constant 0 : i32
        %dma_start3A_84 = arith.constant 0 : i32
        %dma_start3A_85 = tpu.memref_slice %arg20[%dma_start3A, %dma_start3A_84] : memref<10240x128xf32, #tpu.memory_space<vmem_shared>> -> memref<10240x128xf32, #tpu.memory_space<vmem_shared>>
        tpu.enqueue_indirect_dma source(%arg19 : memref<40x128xf32, #tpu.memory_space<vmem>>) target(%dma_start3A_85 : memref<10240x128xf32, #tpu.memory_space<vmem_shared>>) offsets(%arg13 : memref<40xi32, #tpu.memory_space<vmem>>) semaphore(%run_scoped3A : memref<!tpu.dma_semaphore, #tpu.memory_space<semaphore_mem>>) {add = true}
        %dma_wait3A = arith.constant 0 : i32
        %dma_wait3A_86 = arith.constant 0 : i32
        %dma_wait3A_87 = tpu.memref_slice %arg20[%dma_wait3A, %dma_wait3A_86] : memref<10240x128xf32, #tpu.memory_space<vmem_shared>> -> memref<10240x128xf32, #tpu.memory_space<vmem_shared>>
        tpu.wait_indirect_dma semaphore(%run_scoped3A : memref<!tpu.dma_semaphore, #tpu.memory_space<semaphore_mem>>) src(%arg19 : memref<40x128xf32, #tpu.memory_space<vmem>>) dst(%dma_wait3A_87 : memref<10240x128xf32, #tpu.memory_space<vmem_shared>>)
        tpu.yield
      }) : () -> ()
      %scan3A_83 = arith.constant 0 : i32
      scf.yield %scan3A_83 : i32
    }
    %scan3A_30 = arith.constant 500 : i32
    %barrier3A_31 = arith.constant 0 : index
    tpu.barrier barrier_id(%barrier3A_31)
    %eq3A = arith.constant 0 : i32
    %eq3A_32 = arith.cmpi eq, %arg0, %eq3A : i32
    %convert_element_type3A = arith.extui %eq3A_32 : i1 to i32
    %cond3A = arith.constant 0 : i32
    %cond3A_33 = arith.cmpi ne, %convert_element_type3A, %cond3A : i32
    scf.if %cond3A_33 {
      "tpu.region"() ({
        %run_scoped3A = tpu.sem_alloc : memref<!tpu.dma_semaphore, #tpu.memory_space<semaphore_mem>>
        %dma_start3A = arith.constant 0 : i32
        %dma_start3A_67 = tpu.memref_slice %arg9[%mul3A_16, %dma_start3A] : memref<10240x128xf32, #tpu.memory_space<hbm>> -> memref<640x128xf32, #tpu.memory_space<hbm>>
        %dma_start3A_68 = arith.constant 0 : i32
        %dma_start3A_69 = tpu.memref_slice %arg20[%mul3A_16, %dma_start3A_68] : memref<10240x128xf32, #tpu.memory_space<vmem_shared>> -> memref<640x128xf32, #tpu.memory_space<vmem_shared>>
        tpu.enqueue_dma source(%dma_start3A_69 : memref<640x128xf32, #tpu.memory_space<vmem_shared>>) target(%dma_start3A_67 : memref<640x128xf32, #tpu.memory_space<hbm>>) target_semaphore(%run_scoped3A : memref<!tpu.dma_semaphore, #tpu.memory_space<semaphore_mem>>)
        %dma_wait3A = arith.constant 0 : i32
        %dma_wait3A_70 = tpu.memref_slice %arg9[%mul3A_16, %dma_wait3A] : memref<10240x128xf32, #tpu.memory_space<hbm>> -> memref<640x128xf32, #tpu.memory_space<hbm>>
        %dma_wait3A_71 = arith.constant 0 : i32
        %dma_wait3A_72 = tpu.memref_slice %arg20[%mul3A_16, %dma_wait3A_71] : memref<10240x128xf32, #tpu.memory_space<vmem_shared>> -> memref<640x128xf32, #tpu.memory_space<vmem_shared>>
        tpu.wait_dma2 semaphore(%run_scoped3A : memref<!tpu.dma_semaphore, #tpu.memory_space<semaphore_mem>>) src(%dma_wait3A_72 : memref<640x128xf32, #tpu.memory_space<vmem_shared>>) dst(%dma_wait3A_70 : memref<640x128xf32, #tpu.memory_space<hbm>>)
        tpu.yield
      }) : () -> ()
    } else {
    }
    %eq3A_34 = arith.constant 1 : i32
    %eq3A_35 = arith.cmpi eq, %arg0, %eq3A_34 : i32
    %convert_element_type3A_36 = arith.extui %eq3A_35 : i1 to i32
    %cond3A_37 = arith.constant 0 : i32
    %cond3A_38 = arith.cmpi ne, %convert_element_type3A_36, %cond3A_37 : i32
    scf.if %cond3A_38 {
      "tpu.region"() ({
        %run_scoped3A = tpu.sem_alloc : memref<!tpu.dma_semaphore, #tpu.memory_space<semaphore_mem>>
        %dma_start3A = arith.constant 0 : i32
        %dma_start3A_67 = tpu.memref_slice %arg10[%mul3A_16, %dma_start3A] : memref<10240x128xf32, #tpu.memory_space<hbm>> -> memref<640x128xf32, #tpu.memory_space<hbm>>
        %dma_start3A_68 = arith.constant 0 : i32
        %dma_start3A_69 = tpu.memref_slice %arg20[%mul3A_16, %dma_start3A_68] : memref<10240x128xf32, #tpu.memory_space<vmem_shared>> -> memref<640x128xf32, #tpu.memory_space<vmem_shared>>
        tpu.enqueue_dma source(%dma_start3A_69 : memref<640x128xf32, #tpu.memory_space<vmem_shared>>) target(%dma_start3A_67 : memref<640x128xf32, #tpu.memory_space<hbm>>) target_semaphore(%run_scoped3A : memref<!tpu.dma_semaphore, #tpu.memory_space<semaphore_mem>>)
        %dma_wait3A = arith.constant 0 : i32
        %dma_wait3A_70 = tpu.memref_slice %arg10[%mul3A_16, %dma_wait3A] : memref<10240x128xf32, #tpu.memory_space<hbm>> -> memref<640x128xf32, #tpu.memory_space<hbm>>
        %dma_wait3A_71 = arith.constant 0 : i32
        %dma_wait3A_72 = tpu.memref_slice %arg20[%mul3A_16, %dma_wait3A_71] : memref<10240x128xf32, #tpu.memory_space<vmem_shared>> -> memref<640x128xf32, #tpu.memory_space<vmem_shared>>
        tpu.wait_dma2 semaphore(%run_scoped3A : memref<!tpu.dma_semaphore, #tpu.memory_space<semaphore_mem>>) src(%dma_wait3A_72 : memref<640x128xf32, #tpu.memory_space<vmem_shared>>) dst(%dma_wait3A_70 : memref<640x128xf32, #tpu.memory_space<hbm>>)
        tpu.yield
      }) : () -> ()
    } else {
    }
    %barrier3A_39 = arith.constant 0 : index
    tpu.barrier barrier_id(%barrier3A_39)
    %scan3A_40 = arith.constant 0 : i32
    %scan3A_41 = arith.constant 0 : i32
    %scan3A_42 = arith.constant 5 : i32
    %scan3A_43 = arith.addi %scan3A_41, %scan3A_42 : i32
    %scan3A_44 = arith.constant 1 : i32
    %scan3A_45 = scf.for %scan3A_67 = %scan3A_41 to %scan3A_43 step %scan3A_44 iter_args(%scan3A_68 = %scan3A_40) -> (i32)  : i32 {
      %mul3A_69 = arith.constant 128 : i32
      %mul3A_70 = arith.muli %scan3A_67, %mul3A_69 : i32
      %add3A = arith.addi %mul3A_16, %mul3A_70 : i32
      "tpu.region"() ({
        %run_scoped3A = tpu.sem_alloc : memref<!tpu.dma_semaphore, #tpu.memory_space<semaphore_mem>>
        %dma_start3A = arith.constant 0 : i32
        %dma_start3A_72 = tpu.memref_slice %arg20[%add3A, %dma_start3A] : memref<10240x128xf32, #tpu.memory_space<vmem_shared>> -> memref<128x128xf32, #tpu.memory_space<vmem_shared>>
        %dma_start3A_73 = arith.constant 0 : i32
        %dma_start3A_74 = tpu.memref_slice %arg20[%add3A, %dma_start3A_73] : memref<10240x128xf32, #tpu.memory_space<vmem_shared>> -> memref<128x128xf32, #tpu.memory_space<vmem_shared>>
        tpu.enqueue_dma source(%arg18 : memref<128x128xf32, #tpu.memory_space<vmem>>) target(%dma_start3A_74 : memref<128x128xf32, #tpu.memory_space<vmem_shared>>) target_semaphore(%run_scoped3A : memref<!tpu.dma_semaphore, #tpu.memory_space<semaphore_mem>>)
        %dma_wait3A = arith.constant 0 : i32
        %dma_wait3A_75 = tpu.memref_slice %arg20[%add3A, %dma_wait3A] : memref<10240x128xf32, #tpu.memory_space<vmem_shared>> -> memref<128x128xf32, #tpu.memory_space<vmem_shared>>
        %dma_wait3A_76 = arith.constant 0 : i32
        %dma_wait3A_77 = tpu.memref_slice %arg20[%add3A, %dma_wait3A_76] : memref<10240x128xf32, #tpu.memory_space<vmem_shared>> -> memref<128x128xf32, #tpu.memory_space<vmem_shared>>
        tpu.wait_dma2 semaphore(%run_scoped3A : memref<!tpu.dma_semaphore, #tpu.memory_space<semaphore_mem>>) src(%arg18 : memref<128x128xf32, #tpu.memory_space<vmem>>) dst(%dma_wait3A_77 : memref<128x128xf32, #tpu.memory_space<vmem_shared>>)
        tpu.yield
      }) : () -> ()
      %scan3A_71 = arith.constant 0 : i32
      scf.yield %scan3A_71 : i32
    }
    %scan3A_46 = arith.constant 5 : i32
    %barrier3A_47 = arith.constant 0 : index
    tpu.barrier barrier_id(%barrier3A_47)
    %barrier3A_48 = arith.constant 0 : index
    tpu.barrier barrier_id(%barrier3A_48)
    %scan3A_49 = arith.constant 0 : i32
    %scan3A_50 = arith.constant 0 : i32
    %scan3A_51 = arith.constant 500 : i32
    %scan3A_52 = arith.addi %scan3A_50, %scan3A_51 : i32
    %scan3A_53 = arith.constant 1 : i32
    %scan3A_54 = scf.for %scan3A_67 = %scan3A_50 to %scan3A_52 step %scan3A_53 iter_args(%scan3A_68 = %scan3A_49) -> (i32)  : i32 {
      %mul3A_69 = arith.constant 20000 : i32
      %mul3A_70 = arith.muli %arg1, %mul3A_69 : i32
      %mul3A_71 = arith.constant 40 : i32
      %mul3A_72 = arith.muli %scan3A_67, %mul3A_71 : i32
      %add3A = arith.addi %mul3A_70, %mul3A_72 : i32
      "tpu.region"() ({
        %run_scoped3A = tpu.sem_alloc : memref<!tpu.dma_semaphore, #tpu.memory_space<semaphore_mem>>
        %dma_start3A_109 = tpu.memref_slice %arg5[%add3A] : memref<320000xi32, #tpu.memory_space<hbm>> -> memref<40xi32, #tpu.memory_space<hbm>>
        %dma_start3A_110 = tpu.memref_slice %arg5[%add3A] : memref<320000xi32, #tpu.memory_space<hbm>> -> memref<40xi32, #tpu.memory_space<hbm>>
        tpu.enqueue_dma source(%dma_start3A_110 : memref<40xi32, #tpu.memory_space<hbm>>) target(%arg11 : memref<40xi32, #tpu.memory_space<vmem>>) target_semaphore(%run_scoped3A : memref<!tpu.dma_semaphore, #tpu.memory_space<semaphore_mem>>)
        %dma_wait3A_111 = tpu.memref_slice %arg5[%add3A] : memref<320000xi32, #tpu.memory_space<hbm>> -> memref<40xi32, #tpu.memory_space<hbm>>
        %dma_wait3A_112 = tpu.memref_slice %arg5[%add3A] : memref<320000xi32, #tpu.memory_space<hbm>> -> memref<40xi32, #tpu.memory_space<hbm>>
        tpu.wait_dma2 semaphore(%run_scoped3A : memref<!tpu.dma_semaphore, #tpu.memory_space<semaphore_mem>>) src(%dma_wait3A_112 : memref<40xi32, #tpu.memory_space<hbm>>) dst(%arg11 : memref<40xi32, #tpu.memory_space<vmem>>)
        tpu.yield
      }) : () -> ()
      "tpu.region"() ({
        %run_scoped3A = tpu.sem_alloc : memref<!tpu.dma_semaphore, #tpu.memory_space<semaphore_mem>>
        %dma_start3A_109 = tpu.memref_slice %arg6[%add3A] : memref<320000xi32, #tpu.memory_space<hbm>> -> memref<40xi32, #tpu.memory_space<hbm>>
        %dma_start3A_110 = tpu.memref_slice %arg6[%add3A] : memref<320000xi32, #tpu.memory_space<hbm>> -> memref<40xi32, #tpu.memory_space<hbm>>
        tpu.enqueue_dma source(%dma_start3A_110 : memref<40xi32, #tpu.memory_space<hbm>>) target(%arg12 : memref<40xi32, #tpu.memory_space<vmem>>) target_semaphore(%run_scoped3A : memref<!tpu.dma_semaphore, #tpu.memory_space<semaphore_mem>>)
        %dma_wait3A_111 = tpu.memref_slice %arg6[%add3A] : memref<320000xi32, #tpu.memory_space<hbm>> -> memref<40xi32, #tpu.memory_space<hbm>>
        %dma_wait3A_112 = tpu.memref_slice %arg6[%add3A] : memref<320000xi32, #tpu.memory_space<hbm>> -> memref<40xi32, #tpu.memory_space<hbm>>
        tpu.wait_dma2 semaphore(%run_scoped3A : memref<!tpu.dma_semaphore, #tpu.memory_space<semaphore_mem>>) src(%dma_wait3A_112 : memref<40xi32, #tpu.memory_space<hbm>>) dst(%arg12 : memref<40xi32, #tpu.memory_space<vmem>>)
        tpu.yield
      }) : () -> ()
      %eq3A_73 = arith.constant 0 : i32
      %eq3A_74 = arith.cmpi eq, %arg0, %eq3A_73 : i32
      %convert_element_type3A_75 = arith.extui %eq3A_74 : i1 to i32
      %cond3A_76 = arith.constant 0 : i32
      %cond3A_77 = arith.cmpi ne, %convert_element_type3A_75, %cond3A_76 : i32
      scf.if %cond3A_77 {
        "tpu.region"() ({
          %run_scoped3A = tpu.sem_alloc : memref<!tpu.dma_semaphore, #tpu.memory_space<semaphore_mem>>
          %dma_start3A_109 = tpu.memref_slice %arg6[%add3A] : memref<320000xi32, #tpu.memory_space<hbm>> -> memref<40xi32, #tpu.memory_space<hbm>>
          %dma_start3A_110 = tpu.memref_slice %arg6[%add3A] : memref<320000xi32, #tpu.memory_space<hbm>> -> memref<40xi32, #tpu.memory_space<hbm>>
          tpu.enqueue_dma source(%dma_start3A_110 : memref<40xi32, #tpu.memory_space<hbm>>) target(%arg13 : memref<40xi32, #tpu.memory_space<vmem>>) target_semaphore(%run_scoped3A : memref<!tpu.dma_semaphore, #tpu.memory_space<semaphore_mem>>)
          %dma_wait3A_111 = tpu.memref_slice %arg6[%add3A] : memref<320000xi32, #tpu.memory_space<hbm>> -> memref<40xi32, #tpu.memory_space<hbm>>
          %dma_wait3A_112 = tpu.memref_slice %arg6[%add3A] : memref<320000xi32, #tpu.memory_space<hbm>> -> memref<40xi32, #tpu.memory_space<hbm>>
          tpu.wait_dma2 semaphore(%run_scoped3A : memref<!tpu.dma_semaphore, #tpu.memory_space<semaphore_mem>>) src(%dma_wait3A_112 : memref<40xi32, #tpu.memory_space<hbm>>) dst(%arg13 : memref<40xi32, #tpu.memory_space<vmem>>)
          tpu.yield
        }) : () -> ()
      } else {
      }
      %eq3A_78 = arith.constant 1 : i32
      %eq3A_79 = arith.cmpi eq, %arg0, %eq3A_78 : i32
      %convert_element_type3A_80 = arith.extui %eq3A_79 : i1 to i32
      %cond3A_81 = arith.constant 0 : i32
      %cond3A_82 = arith.cmpi ne, %convert_element_type3A_80, %cond3A_81 : i32
      scf.if %cond3A_82 {
        "tpu.region"() ({
          %run_scoped3A = tpu.sem_alloc : memref<!tpu.dma_semaphore, #tpu.memory_space<semaphore_mem>>
          %dma_start3A_109 = tpu.memref_slice %arg5[%add3A] : memref<320000xi32, #tpu.memory_space<hbm>> -> memref<40xi32, #tpu.memory_space<hbm>>
          %dma_start3A_110 = tpu.memref_slice %arg5[%add3A] : memref<320000xi32, #tpu.memory_space<hbm>> -> memref<40xi32, #tpu.memory_space<hbm>>
          tpu.enqueue_dma source(%dma_start3A_110 : memref<40xi32, #tpu.memory_space<hbm>>) target(%arg13 : memref<40xi32, #tpu.memory_space<vmem>>) target_semaphore(%run_scoped3A : memref<!tpu.dma_semaphore, #tpu.memory_space<semaphore_mem>>)
          %dma_wait3A_111 = tpu.memref_slice %arg5[%add3A] : memref<320000xi32, #tpu.memory_space<hbm>> -> memref<40xi32, #tpu.memory_space<hbm>>
          %dma_wait3A_112 = tpu.memref_slice %arg5[%add3A] : memref<320000xi32, #tpu.memory_space<hbm>> -> memref<40xi32, #tpu.memory_space<hbm>>
          tpu.wait_dma2 semaphore(%run_scoped3A : memref<!tpu.dma_semaphore, #tpu.memory_space<semaphore_mem>>) src(%dma_wait3A_112 : memref<40xi32, #tpu.memory_space<hbm>>) dst(%arg13 : memref<40xi32, #tpu.memory_space<vmem>>)
          tpu.yield
        }) : () -> ()
      } else {
      }
      %dma_start3A = arith.constant 0 : i32
      %dma_start3A_83 = arith.constant 0 : i32
      %dma_start3A_84 = tpu.memref_slice %arg2[%dma_start3A, %dma_start3A_83] : memref<10000x128xf32, #tpu.memory_space<hbm>> -> memref<10000x128xf32, #tpu.memory_space<hbm>>
      tpu.enqueue_indirect_dma source(%dma_start3A_84 : memref<10000x128xf32, #tpu.memory_space<hbm>>) target(%arg14 : memref<40x128xf32, #tpu.memory_space<vmem>>) offsets(%arg11 : memref<40xi32, #tpu.memory_space<vmem>>) semaphore(%arg21 : memref<!tpu.dma_semaphore, #tpu.memory_space<semaphore_mem>>)
      %dma_start3A_85 = arith.constant 0 : i32
      %dma_start3A_86 = arith.constant 0 : i32
      %dma_start3A_87 = tpu.memref_slice %arg3[%dma_start3A_85, %dma_start3A_86] : memref<10000x128xf32, #tpu.memory_space<hbm>> -> memref<10000x128xf32, #tpu.memory_space<hbm>>
      tpu.enqueue_indirect_dma source(%dma_start3A_87 : memref<10000x128xf32, #tpu.memory_space<hbm>>) target(%arg15 : memref<40x128xf32, #tpu.memory_space<vmem>>) offsets(%arg12 : memref<40xi32, #tpu.memory_space<vmem>>) semaphore(%arg22 : memref<!tpu.dma_semaphore, #tpu.memory_space<semaphore_mem>>)
      %dma_start3A_88 = arith.constant 0 : i32
      %dma_start3A_89 = tpu.memref_slice %arg4[%add3A, %dma_start3A_88] : memref<320000x128xf32, #tpu.memory_space<hbm>> -> memref<40x128xf32, #tpu.memory_space<hbm>>
      %dma_start3A_90 = arith.constant 0 : i32
      %dma_start3A_91 = tpu.memref_slice %arg4[%add3A, %dma_start3A_90] : memref<320000x128xf32, #tpu.memory_space<hbm>> -> memref<40x128xf32, #tpu.memory_space<hbm>>
      tpu.enqueue_dma source(%dma_start3A_91 : memref<40x128xf32, #tpu.memory_space<hbm>>) target(%arg16 : memref<40x128xf32, #tpu.memory_space<vmem>>) target_semaphore(%arg23 : memref<!tpu.dma_semaphore, #tpu.memory_space<semaphore_mem>>)
      %dma_wait3A = arith.constant 0 : i32
      %dma_wait3A_92 = arith.constant 0 : i32
      %dma_wait3A_93 = tpu.memref_slice %arg2[%dma_wait3A, %dma_wait3A_92] : memref<10000x128xf32, #tpu.memory_space<hbm>> -> memref<10000x128xf32, #tpu.memory_space<hbm>>
      tpu.wait_indirect_dma semaphore(%arg21 : memref<!tpu.dma_semaphore, #tpu.memory_space<semaphore_mem>>) src(%dma_wait3A_93 : memref<10000x128xf32, #tpu.memory_space<hbm>>) dst(%arg14 : memref<40x128xf32, #tpu.memory_space<vmem>>)
      %dma_wait3A_94 = arith.constant 0 : i32
      %dma_wait3A_95 = arith.constant 0 : i32
      %dma_wait3A_96 = tpu.memref_slice %arg3[%dma_wait3A_94, %dma_wait3A_95] : memref<10000x128xf32, #tpu.memory_space<hbm>> -> memref<10000x128xf32, #tpu.memory_space<hbm>>
      tpu.wait_indirect_dma semaphore(%arg22 : memref<!tpu.dma_semaphore, #tpu.memory_space<semaphore_mem>>) src(%dma_wait3A_96 : memref<10000x128xf32, #tpu.memory_space<hbm>>) dst(%arg15 : memref<40x128xf32, #tpu.memory_space<vmem>>)
      %dma_wait3A_97 = arith.constant 0 : i32
      %dma_wait3A_98 = tpu.memref_slice %arg4[%add3A, %dma_wait3A_97] : memref<320000x128xf32, #tpu.memory_space<hbm>> -> memref<40x128xf32, #tpu.memory_space<hbm>>
      %dma_wait3A_99 = arith.constant 0 : i32
      %dma_wait3A_100 = tpu.memref_slice %arg4[%add3A, %dma_wait3A_99] : memref<320000x128xf32, #tpu.memory_space<hbm>> -> memref<40x128xf32, #tpu.memory_space<hbm>>
      tpu.wait_dma2 semaphore(%arg23 : memref<!tpu.dma_semaphore, #tpu.memory_space<semaphore_mem>>) src(%dma_wait3A_100 : memref<40x128xf32, #tpu.memory_space<hbm>>) dst(%arg16 : memref<40x128xf32, #tpu.memory_space<vmem>>)
      %scan3A_101 = arith.constant 0 : i32
      %scan3A_102 = arith.constant 0 : i32
      %scan3A_103 = arith.constant 40 : i32
      %scan3A_104 = arith.addi %scan3A_102, %scan3A_103 : i32
      %scan3A_105 = arith.constant 1 : i32
      %scan3A_106 = scf.for %scan3A_109 = %scan3A_102 to %scan3A_104 step %scan3A_105 iter_args(%scan3A_110 = %scan3A_101) -> (i32)  : i32 {
        %get3A = arith.index_cast %scan3A_109 : i32 to index
        %get3A_111 = arith.constant 0 : index
        %get3A_112 = tpu.vector_load %arg14[%get3A, %get3A_111] {strides = array<i32>} : memref<40x128xf32, #tpu.memory_space<vmem>>, vector<1x16xf32>,
        %get3A_113 = vector.shape_cast %get3A_112 : vector<1x16xf32> to vector<16xf32>
        %get3A_114 = arith.index_cast %scan3A_109 : i32 to index
        %get3A_115 = arith.constant 0 : index
        %get3A_116 = tpu.vector_load %arg15[%get3A_114, %get3A_115] {strides = array<i32>} : memref<40x128xf32, #tpu.memory_space<vmem>>, vector<1x16xf32>,
        %get3A_117 = vector.shape_cast %get3A_116 : vector<1x16xf32> to vector<16xf32>
        %add3A_118 = arith.addf %get3A_113, %get3A_117 : vector<16xf32>
        %get3A_119 = arith.index_cast %scan3A_109 : i32 to index
        %get3A_120 = arith.constant 0 : index
        %get3A_121 = tpu.vector_load %arg16[%get3A_119, %get3A_120] {strides = array<i32>} : memref<40x128xf32, #tpu.memory_space<vmem>>, vector<1x16xf32>,
        %get3A_122 = vector.shape_cast %get3A_121 : vector<1x16xf32> to vector<16xf32>
        %add3A_123 = arith.addf %add3A_118, %get3A_122 : vector<16xf32>
        %max3A = arith.constant 0.000000e+00 : f32
        %max3A_124 = vector.broadcast %max3A : f32 to vector<16xf32>
        %max3A_125 = arith.maximumf %add3A_123, %max3A_124 : vector<16xf32>
        %swap3A = arith.index_cast %scan3A_109 : i32 to index
        %swap3A_126 = arith.constant 0 : index
        %swap3A_127 = tpu.vector_load %arg17[%swap3A, %swap3A_126] {strides = array<i32>} : memref<40x128xf32, #tpu.memory_space<vmem>>, vector<1x16xf32>,
        %swap3A_128 = vector.shape_cast %swap3A_127 : vector<1x16xf32> to vector<16xf32>
        %swap3A_129 = vector.shape_cast %max3A_125 : vector<16xf32> to vector<1x16xf32>
        tpu.vector_store %arg17[%swap3A, %swap3A_126], %swap3A_129 {strides = array<i32>} : memref<40x128xf32, #tpu.memory_space<vmem>>, vector<1x16xf32>,
        %get3A_130 = arith.index_cast %scan3A_109 : i32 to index
        %get3A_131 = arith.constant 16 : index
        %get3A_132 = tpu.vector_load %arg14[%get3A_130, %get3A_131] {strides = array<i32>} : memref<40x128xf32, #tpu.memory_space<vmem>>, vector<1x16xf32>,
        %get3A_133 = vector.shape_cast %get3A_132 : vector<1x16xf32> to vector<16xf32>
        %get3A_134 = arith.index_cast %scan3A_109 : i32 to index
        %get3A_135 = arith.constant 16 : index
        %get3A_136 = tpu.vector_load %arg15[%get3A_134, %get3A_135] {strides = array<i32>} : memref<40x128xf32, #tpu.memory_space<vmem>>, vector<1x16xf32>,
        %get3A_137 = vector.shape_cast %get3A_136 : vector<1x16xf32> to vector<16xf32>
        %add3A_138 = arith.addf %get3A_133, %get3A_137 : vector<16xf32>
        %get3A_139 = arith.index_cast %scan3A_109 : i32 to index
        %get3A_140 = arith.constant 16 : index
        %get3A_141 = tpu.vector_load %arg16[%get3A_139, %get3A_140] {strides = array<i32>} : memref<40x128xf32, #tpu.memory_space<vmem>>, vector<1x16xf32>,
        %get3A_142 = vector.shape_cast %get3A_141 : vector<1x16xf32> to vector<16xf32>
        %add3A_143 = arith.addf %add3A_138, %get3A_142 : vector<16xf32>
        %max3A_144 = arith.constant 0.000000e+00 : f32
        %max3A_145 = vector.broadcast %max3A_144 : f32 to vector<16xf32>
        %max3A_146 = arith.maximumf %add3A_143, %max3A_145 : vector<16xf32>
        %swap3A_147 = arith.index_cast %scan3A_109 : i32 to index
        %swap3A_148 = arith.constant 16 : index
        %swap3A_149 = tpu.vector_load %arg17[%swap3A_147, %swap3A_148] {strides = array<i32>} : memref<40x128xf32, #tpu.memory_space<vmem>>, vector<1x16xf32>,
        %swap3A_150 = vector.shape_cast %swap3A_149 : vector<1x16xf32> to vector<16xf32>
        %swap3A_151 = vector.shape_cast %max3A_146 : vector<16xf32> to vector<1x16xf32>
        tpu.vector_store %arg17[%swap3A_147, %swap3A_148], %swap3A_151 {strides = array<i32>} : memref<40x128xf32, #tpu.memory_space<vmem>>, vector<1x16xf32>,
        %get3A_152 = arith.index_cast %scan3A_109 : i32 to index
        %get3A_153 = arith.constant 32 : index
        %get3A_154 = tpu.vector_load %arg14[%get3A_152, %get3A_153] {strides = array<i32>} : memref<40x128xf32, #tpu.memory_space<vmem>>, vector<1x16xf32>,
        %get3A_155 = vector.shape_cast %get3A_154 : vector<1x16xf32> to vector<16xf32>
        %get3A_156 = arith.index_cast %scan3A_109 : i32 to index
        %get3A_157 = arith.constant 32 : index
        %get3A_158 = tpu.vector_load %arg15[%get3A_156, %get3A_157] {strides = array<i32>} : memref<40x128xf32, #tpu.memory_space<vmem>>, vector<1x16xf32>,
        %get3A_159 = vector.shape_cast %get3A_158 : vector<1x16xf32> to vector<16xf32>
        %add3A_160 = arith.addf %get3A_155, %get3A_159 : vector<16xf32>
        %get3A_161 = arith.index_cast %scan3A_109 : i32 to index
        %get3A_162 = arith.constant 32 : index
        %get3A_163 = tpu.vector_load %arg16[%get3A_161, %get3A_162] {strides = array<i32>} : memref<40x128xf32, #tpu.memory_space<vmem>>, vector<1x16xf32>,
        %get3A_164 = vector.shape_cast %get3A_163 : vector<1x16xf32> to vector<16xf32>
        %add3A_165 = arith.addf %add3A_160, %get3A_164 : vector<16xf32>
        %max3A_166 = arith.constant 0.000000e+00 : f32
        %max3A_167 = vector.broadcast %max3A_166 : f32 to vector<16xf32>
        %max3A_168 = arith.maximumf %add3A_165, %max3A_167 : vector<16xf32>
        %swap3A_169 = arith.index_cast %scan3A_109 : i32 to index
        %swap3A_170 = arith.constant 32 : index
        %swap3A_171 = tpu.vector_load %arg17[%swap3A_169, %swap3A_170] {strides = array<i32>} : memref<40x128xf32, #tpu.memory_space<vmem>>, vector<1x16xf32>,
        %swap3A_172 = vector.shape_cast %swap3A_171 : vector<1x16xf32> to vector<16xf32>
        %swap3A_173 = vector.shape_cast %max3A_168 : vector<16xf32> to vector<1x16xf32>
        tpu.vector_store %arg17[%swap3A_169, %swap3A_170], %swap3A_173 {strides = array<i32>} : memref<40x128xf32, #tpu.memory_space<vmem>>, vector<1x16xf32>,
        %get3A_174 = arith.index_cast %scan3A_109 : i32 to index
        %get3A_175 = arith.constant 48 : index
        %get3A_176 = tpu.vector_load %arg14[%get3A_174, %get3A_175] {strides = array<i32>} : memref<40x128xf32, #tpu.memory_space<vmem>>, vector<1x16xf32>,
        %get3A_177 = vector.shape_cast %get3A_176 : vector<1x16xf32> to vector<16xf32>
        %get3A_178 = arith.index_cast %scan3A_109 : i32 to index
        %get3A_179 = arith.constant 48 : index
        %get3A_180 = tpu.vector_load %arg15[%get3A_178, %get3A_179] {strides = array<i32>} : memref<40x128xf32, #tpu.memory_space<vmem>>, vector<1x16xf32>,
        %get3A_181 = vector.shape_cast %get3A_180 : vector<1x16xf32> to vector<16xf32>
        %add3A_182 = arith.addf %get3A_177, %get3A_181 : vector<16xf32>
        %get3A_183 = arith.index_cast %scan3A_109 : i32 to index
        %get3A_184 = arith.constant 48 : index
        %get3A_185 = tpu.vector_load %arg16[%get3A_183, %get3A_184] {strides = array<i32>} : memref<40x128xf32, #tpu.memory_space<vmem>>, vector<1x16xf32>,
        %get3A_186 = vector.shape_cast %get3A_185 : vector<1x16xf32> to vector<16xf32>
        %add3A_187 = arith.addf %add3A_182, %get3A_186 : vector<16xf32>
        %max3A_188 = arith.constant 0.000000e+00 : f32
        %max3A_189 = vector.broadcast %max3A_188 : f32 to vector<16xf32>
        %max3A_190 = arith.maximumf %add3A_187, %max3A_189 : vector<16xf32>
        %swap3A_191 = arith.index_cast %scan3A_109 : i32 to index
        %swap3A_192 = arith.constant 48 : index
        %swap3A_193 = tpu.vector_load %arg17[%swap3A_191, %swap3A_192] {strides = array<i32>} : memref<40x128xf32, #tpu.memory_space<vmem>>, vector<1x16xf32>,
        %swap3A_194 = vector.shape_cast %swap3A_193 : vector<1x16xf32> to vector<16xf32>
        %swap3A_195 = vector.shape_cast %max3A_190 : vector<16xf32> to vector<1x16xf32>
        tpu.vector_store %arg17[%swap3A_191, %swap3A_192], %swap3A_195 {strides = array<i32>} : memref<40x128xf32, #tpu.memory_space<vmem>>, vector<1x16xf32>,
        %get3A_196 = arith.index_cast %scan3A_109 : i32 to index
        %get3A_197 = arith.constant 64 : index
        %get3A_198 = tpu.vector_load %arg14[%get3A_196, %get3A_197] {strides = array<i32>} : memref<40x128xf32, #tpu.memory_space<vmem>>, vector<1x16xf32>,
        %get3A_199 = vector.shape_cast %get3A_198 : vector<1x16xf32> to vector<16xf32>
        %get3A_200 = arith.index_cast %scan3A_109 : i32 to index
        %get3A_201 = arith.constant 64 : index
        %get3A_202 = tpu.vector_load %arg15[%get3A_200, %get3A_201] {strides = array<i32>} : memref<40x128xf32, #tpu.memory_space<vmem>>, vector<1x16xf32>,
        %get3A_203 = vector.shape_cast %get3A_202 : vector<1x16xf32> to vector<16xf32>
        %add3A_204 = arith.addf %get3A_199, %get3A_203 : vector<16xf32>
        %get3A_205 = arith.index_cast %scan3A_109 : i32 to index
        %get3A_206 = arith.constant 64 : index
        %get3A_207 = tpu.vector_load %arg16[%get3A_205, %get3A_206] {strides = array<i32>} : memref<40x128xf32, #tpu.memory_space<vmem>>, vector<1x16xf32>,
        %get3A_208 = vector.shape_cast %get3A_207 : vector<1x16xf32> to vector<16xf32>
        %add3A_209 = arith.addf %add3A_204, %get3A_208 : vector<16xf32>
        %max3A_210 = arith.constant 0.000000e+00 : f32
        %max3A_211 = vector.broadcast %max3A_210 : f32 to vector<16xf32>
        %max3A_212 = arith.maximumf %add3A_209, %max3A_211 : vector<16xf32>
        %swap3A_213 = arith.index_cast %scan3A_109 : i32 to index
        %swap3A_214 = arith.constant 64 : index
        %swap3A_215 = tpu.vector_load %arg17[%swap3A_213, %swap3A_214] {strides = array<i32>} : memref<40x128xf32, #tpu.memory_space<vmem>>, vector<1x16xf32>,
        %swap3A_216 = vector.shape_cast %swap3A_215 : vector<1x16xf32> to vector<16xf32>
        %swap3A_217 = vector.shape_cast %max3A_212 : vector<16xf32> to vector<1x16xf32>
        tpu.vector_store %arg17[%swap3A_213, %swap3A_214], %swap3A_217 {strides = array<i32>} : memref<40x128xf32, #tpu.memory_space<vmem>>, vector<1x16xf32>,
        %get3A_218 = arith.index_cast %scan3A_109 : i32 to index
        %get3A_219 = arith.constant 80 : index
        %get3A_220 = tpu.vector_load %arg14[%get3A_218, %get3A_219] {strides = array<i32>} : memref<40x128xf32, #tpu.memory_space<vmem>>, vector<1x16xf32>,
        %get3A_221 = vector.shape_cast %get3A_220 : vector<1x16xf32> to vector<16xf32>
        %get3A_222 = arith.index_cast %scan3A_109 : i32 to index
        %get3A_223 = arith.constant 80 : index
        %get3A_224 = tpu.vector_load %arg15[%get3A_222, %get3A_223] {strides = array<i32>} : memref<40x128xf32, #tpu.memory_space<vmem>>, vector<1x16xf32>,
        %get3A_225 = vector.shape_cast %get3A_224 : vector<1x16xf32> to vector<16xf32>
        %add3A_226 = arith.addf %get3A_221, %get3A_225 : vector<16xf32>
        %get3A_227 = arith.index_cast %scan3A_109 : i32 to index
        %get3A_228 = arith.constant 80 : index
        %get3A_229 = tpu.vector_load %arg16[%get3A_227, %get3A_228] {strides = array<i32>} : memref<40x128xf32, #tpu.memory_space<vmem>>, vector<1x16xf32>,
        %get3A_230 = vector.shape_cast %get3A_229 : vector<1x16xf32> to vector<16xf32>
        %add3A_231 = arith.addf %add3A_226, %get3A_230 : vector<16xf32>
        %max3A_232 = arith.constant 0.000000e+00 : f32
        %max3A_233 = vector.broadcast %max3A_232 : f32 to vector<16xf32>
        %max3A_234 = arith.maximumf %add3A_231, %max3A_233 : vector<16xf32>
        %swap3A_235 = arith.index_cast %scan3A_109 : i32 to index
        %swap3A_236 = arith.constant 80 : index
        %swap3A_237 = tpu.vector_load %arg17[%swap3A_235, %swap3A_236] {strides = array<i32>} : memref<40x128xf32, #tpu.memory_space<vmem>>, vector<1x16xf32>,
        %swap3A_238 = vector.shape_cast %swap3A_237 : vector<1x16xf32> to vector<16xf32>
        %swap3A_239 = vector.shape_cast %max3A_234 : vector<16xf32> to vector<1x16xf32>
        tpu.vector_store %arg17[%swap3A_235, %swap3A_236], %swap3A_239 {strides = array<i32>} : memref<40x128xf32, #tpu.memory_space<vmem>>, vector<1x16xf32>,
        %get3A_240 = arith.index_cast %scan3A_109 : i32 to index
        %get3A_241 = arith.constant 96 : index
        %get3A_242 = tpu.vector_load %arg14[%get3A_240, %get3A_241] {strides = array<i32>} : memref<40x128xf32, #tpu.memory_space<vmem>>, vector<1x16xf32>,
        %get3A_243 = vector.shape_cast %get3A_242 : vector<1x16xf32> to vector<16xf32>
        %get3A_244 = arith.index_cast %scan3A_109 : i32 to index
        %get3A_245 = arith.constant 96 : index
        %get3A_246 = tpu.vector_load %arg15[%get3A_244, %get3A_245] {strides = array<i32>} : memref<40x128xf32, #tpu.memory_space<vmem>>, vector<1x16xf32>,
        %get3A_247 = vector.shape_cast %get3A_246 : vector<1x16xf32> to vector<16xf32>
        %add3A_248 = arith.addf %get3A_243, %get3A_247 : vector<16xf32>
        %get3A_249 = arith.index_cast %scan3A_109 : i32 to index
        %get3A_250 = arith.constant 96 : index
        %get3A_251 = tpu.vector_load %arg16[%get3A_249, %get3A_250] {strides = array<i32>} : memref<40x128xf32, #tpu.memory_space<vmem>>, vector<1x16xf32>,
        %get3A_252 = vector.shape_cast %get3A_251 : vector<1x16xf32> to vector<16xf32>
        %add3A_253 = arith.addf %add3A_248, %get3A_252 : vector<16xf32>
        %max3A_254 = arith.constant 0.000000e+00 : f32
        %max3A_255 = vector.broadcast %max3A_254 : f32 to vector<16xf32>
        %max3A_256 = arith.maximumf %add3A_253, %max3A_255 : vector<16xf32>
        %swap3A_257 = arith.index_cast %scan3A_109 : i32 to index
        %swap3A_258 = arith.constant 96 : index
        %swap3A_259 = tpu.vector_load %arg17[%swap3A_257, %swap3A_258] {strides = array<i32>} : memref<40x128xf32, #tpu.memory_space<vmem>>, vector<1x16xf32>,
        %swap3A_260 = vector.shape_cast %swap3A_259 : vector<1x16xf32> to vector<16xf32>
        %swap3A_261 = vector.shape_cast %max3A_256 : vector<16xf32> to vector<1x16xf32>
        tpu.vector_store %arg17[%swap3A_257, %swap3A_258], %swap3A_261 {strides = array<i32>} : memref<40x128xf32, #tpu.memory_space<vmem>>, vector<1x16xf32>,
        %get3A_262 = arith.index_cast %scan3A_109 : i32 to index
        %get3A_263 = arith.constant 112 : index
        %get3A_264 = tpu.vector_load %arg14[%get3A_262, %get3A_263] {strides = array<i32>} : memref<40x128xf32, #tpu.memory_space<vmem>>, vector<1x16xf32>,
        %get3A_265 = vector.shape_cast %get3A_264 : vector<1x16xf32> to vector<16xf32>
        %get3A_266 = arith.index_cast %scan3A_109 : i32 to index
        %get3A_267 = arith.constant 112 : index
        %get3A_268 = tpu.vector_load %arg15[%get3A_266, %get3A_267] {strides = array<i32>} : memref<40x128xf32, #tpu.memory_space<vmem>>, vector<1x16xf32>,
        %get3A_269 = vector.shape_cast %get3A_268 : vector<1x16xf32> to vector<16xf32>
        %add3A_270 = arith.addf %get3A_265, %get3A_269 : vector<16xf32>
        %get3A_271 = arith.index_cast %scan3A_109 : i32 to index
        %get3A_272 = arith.constant 112 : index
        %get3A_273 = tpu.vector_load %arg16[%get3A_271, %get3A_272] {strides = array<i32>} : memref<40x128xf32, #tpu.memory_space<vmem>>, vector<1x16xf32>,
        %get3A_274 = vector.shape_cast %get3A_273 : vector<1x16xf32> to vector<16xf32>
        %add3A_275 = arith.addf %add3A_270, %get3A_274 : vector<16xf32>
        %max3A_276 = arith.constant 0.000000e+00 : f32
        %max3A_277 = vector.broadcast %max3A_276 : f32 to vector<16xf32>
        %max3A_278 = arith.maximumf %add3A_275, %max3A_277 : vector<16xf32>
        %swap3A_279 = arith.index_cast %scan3A_109 : i32 to index
        %swap3A_280 = arith.constant 112 : index
        %swap3A_281 = tpu.vector_load %arg17[%swap3A_279, %swap3A_280] {strides = array<i32>} : memref<40x128xf32, #tpu.memory_space<vmem>>, vector<1x16xf32>,
        %swap3A_282 = vector.shape_cast %swap3A_281 : vector<1x16xf32> to vector<16xf32>
        %swap3A_283 = vector.shape_cast %max3A_278 : vector<16xf32> to vector<1x16xf32>
        tpu.vector_store %arg17[%swap3A_279, %swap3A_280], %swap3A_283 {strides = array<i32>} : memref<40x128xf32, #tpu.memory_space<vmem>>, vector<1x16xf32>,
        %scan3A_284 = arith.constant 0 : i32
        scf.yield %scan3A_284 : i32
      }
      %scan3A_107 = arith.constant 40 : i32
      "tpu.region"() ({
        %run_scoped3A = tpu.sem_alloc : memref<!tpu.dma_semaphore, #tpu.memory_space<semaphore_mem>>
        %dma_start3A_109 = arith.constant 0 : i32
        %dma_start3A_110 = arith.constant 0 : i32
        %dma_start3A_111 = tpu.memref_slice %arg20[%dma_start3A_109, %dma_start3A_110] : memref<10240x128xf32, #tpu.memory_space<vmem_shared>> -> memref<10240x128xf32, #tpu.memory_space<vmem_shared>>
        tpu.enqueue_indirect_dma source(%arg17 : memref<40x128xf32, #tpu.memory_space<vmem>>) target(%dma_start3A_111 : memref<10240x128xf32, #tpu.memory_space<vmem_shared>>) offsets(%arg13 : memref<40xi32, #tpu.memory_space<vmem>>) semaphore(%run_scoped3A : memref<!tpu.dma_semaphore, #tpu.memory_space<semaphore_mem>>) {add = true}
        %dma_wait3A_112 = arith.constant 0 : i32
        %dma_wait3A_113 = arith.constant 0 : i32
        %dma_wait3A_114 = tpu.memref_slice %arg20[%dma_wait3A_112, %dma_wait3A_113] : memref<10240x128xf32, #tpu.memory_space<vmem_shared>> -> memref<10240x128xf32, #tpu.memory_space<vmem_shared>>
        tpu.wait_indirect_dma semaphore(%run_scoped3A : memref<!tpu.dma_semaphore, #tpu.memory_space<semaphore_mem>>) src(%arg17 : memref<40x128xf32, #tpu.memory_space<vmem>>) dst(%dma_wait3A_114 : memref<10240x128xf32, #tpu.memory_space<vmem_shared>>)
        tpu.yield
      }) : () -> ()
      %scan3A_108 = arith.constant 0 : i32
      scf.yield %scan3A_108 : i32
    }
    %scan3A_55 = arith.constant 500 : i32
    %barrier3A_56 = arith.constant 0 : index
    tpu.barrier barrier_id(%barrier3A_56)
    %eq3A_57 = arith.constant 0 : i32
    %eq3A_58 = arith.cmpi eq, %arg0, %eq3A_57 : i32
    %convert_element_type3A_59 = arith.extui %eq3A_58 : i1 to i32
    %cond3A_60 = arith.constant 0 : i32
    %cond3A_61 = arith.cmpi ne, %convert_element_type3A_59, %cond3A_60 : i32
    scf.if %cond3A_61 {
      "tpu.region"() ({
        %run_scoped3A = tpu.sem_alloc : memref<!tpu.dma_semaphore, #tpu.memory_space<semaphore_mem>>
        %dma_start3A = arith.constant 0 : i32
        %dma_start3A_67 = tpu.memref_slice %arg7[%mul3A_16, %dma_start3A] : memref<10240x128xf32, #tpu.memory_space<hbm>> -> memref<640x128xf32, #tpu.memory_space<hbm>>
        %dma_start3A_68 = arith.constant 0 : i32
        %dma_start3A_69 = tpu.memref_slice %arg20[%mul3A_16, %dma_start3A_68] : memref<10240x128xf32, #tpu.memory_space<vmem_shared>> -> memref<640x128xf32, #tpu.memory_space<vmem_shared>>
        tpu.enqueue_dma source(%dma_start3A_69 : memref<640x128xf32, #tpu.memory_space<vmem_shared>>) target(%dma_start3A_67 : memref<640x128xf32, #tpu.memory_space<hbm>>) target_semaphore(%run_scoped3A : memref<!tpu.dma_semaphore, #tpu.memory_space<semaphore_mem>>)
        %dma_wait3A = arith.constant 0 : i32
        %dma_wait3A_70 = tpu.memref_slice %arg7[%mul3A_16, %dma_wait3A] : memref<10240x128xf32, #tpu.memory_space<hbm>> -> memref<640x128xf32, #tpu.memory_space<hbm>>
        %dma_wait3A_71 = arith.constant 0 : i32
        %dma_wait3A_72 = tpu.memref_slice %arg20[%mul3A_16, %dma_wait3A_71] : memref<10240x128xf32, #tpu.memory_space<vmem_shared>> -> memref<640x128xf32, #tpu.memory_space<vmem_shared>>
        tpu.wait_dma2 semaphore(%run_scoped3A : memref<!tpu.dma_semaphore, #tpu.memory_space<semaphore_mem>>) src(%dma_wait3A_72 : memref<640x128xf32, #tpu.memory_space<vmem_shared>>) dst(%dma_wait3A_70 : memref<640x128xf32, #tpu.memory_space<hbm>>)
        tpu.yield
      }) : () -> ()
    } else {
    }
    %eq3A_62 = arith.constant 1 : i32
    %eq3A_63 = arith.cmpi eq, %arg0, %eq3A_62 : i32
    %convert_element_type3A_64 = arith.extui %eq3A_63 : i1 to i32
    %cond3A_65 = arith.constant 0 : i32
    %cond3A_66 = arith.cmpi ne, %convert_element_type3A_64, %cond3A_65 : i32
    scf.if %cond3A_66 {
      "tpu.region"() ({
        %run_scoped3A = tpu.sem_alloc : memref<!tpu.dma_semaphore, #tpu.memory_space<semaphore_mem>>
        %dma_start3A = arith.constant 0 : i32
        %dma_start3A_67 = tpu.memref_slice %arg8[%mul3A_16, %dma_start3A] : memref<10240x128xf32, #tpu.memory_space<hbm>> -> memref<640x128xf32, #tpu.memory_space<hbm>>
        %dma_start3A_68 = arith.constant 0 : i32
        %dma_start3A_69 = tpu.memref_slice %arg20[%mul3A_16, %dma_start3A_68] : memref<10240x128xf32, #tpu.memory_space<vmem_shared>> -> memref<640x128xf32, #tpu.memory_space<vmem_shared>>
        tpu.enqueue_dma source(%dma_start3A_69 : memref<640x128xf32, #tpu.memory_space<vmem_shared>>) target(%dma_start3A_67 : memref<640x128xf32, #tpu.memory_space<hbm>>) target_semaphore(%run_scoped3A : memref<!tpu.dma_semaphore, #tpu.memory_space<semaphore_mem>>)
        %dma_wait3A = arith.constant 0 : i32
        %dma_wait3A_70 = tpu.memref_slice %arg8[%mul3A_16, %dma_wait3A] : memref<10240x128xf32, #tpu.memory_space<hbm>> -> memref<640x128xf32, #tpu.memory_space<hbm>>
        %dma_wait3A_71 = arith.constant 0 : i32
        %dma_wait3A_72 = tpu.memref_slice %arg20[%mul3A_16, %dma_wait3A_71] : memref<10240x128xf32, #tpu.memory_space<vmem_shared>> -> memref<640x128xf32, #tpu.memory_space<vmem_shared>>
        tpu.wait_dma2 semaphore(%run_scoped3A : memref<!tpu.dma_semaphore, #tpu.memory_space<semaphore_mem>>) src(%dma_wait3A_72 : memref<640x128xf32, #tpu.memory_space<vmem_shared>>) dst(%dma_wait3A_70 : memref<640x128xf32, #tpu.memory_space<hbm>>)
        tpu.yield
      }) : () -> ()
    } else {
    }
    return
  }
}

module attributes {stable_mosaic.version = 14 : i64} {
  func.func @_edge_proj_body(%arg0: i32, %arg1: memref<2560x128xf32, #tpu.memory_space<vmem>>, %arg2: memref<128x128xf32, #tpu.memory_space<vmem>>, %arg3: memref<1x128xf32, #tpu.memory_space<vmem>>, %arg4: memref<2560x128xf32, #tpu.memory_space<vmem>>) attributes {dimension_semantics = [#tpu.dimension_semantics<arbitrary>], iteration_bounds = array<i64: 125>, scalar_prefetch = 0 : i64, scratch_operands = 0 : i64, tpu.core_type = #tpu.core_type<tc>, window_params = [{transform_indices = @transform_0, window_bounds = array<i64: 2560, 128>}, {pipeline_mode = #tpu.pipeline_mode<synchronous>, transform_indices = @transform_1, window_bounds = array<i64: 128, 128>}, {pipeline_mode = #tpu.pipeline_mode<synchronous>, transform_indices = @transform_2, window_bounds = array<i64: 1, 128>}, {transform_indices = @transform_3, window_bounds = array<i64: 2560, 128>}]} {
    %get3A = arith.constant 0 : index
    %get3A_0 = arith.constant 0 : index
    %get3A_1 = vector.load %arg1[%get3A, %get3A_0] : memref<2560x128xf32, #tpu.memory_space<vmem>>, vector<2560x128xf32>
    %get3A_2 = arith.constant 0 : index
    %get3A_3 = arith.constant 0 : index
    %get3A_4 = vector.load %arg2[%get3A_2, %get3A_3] : memref<128x128xf32, #tpu.memory_space<vmem>>, vector<128x128xf32>
    %dot_general3A = arith.constant dense<0.000000e+00> : vector<2560x128xf32>
    %dot_general3A_5 = tpu.matmul %get3A_1, %get3A_4, %dot_general3A {dimension_numbers = #tpu.dot_dimension_numbers<[1], [1], [0], [0], [0, 0, 1, 0], [], []>, transpose_lhs_hint = false} : vector<2560x128xf32>, vector<128x128xf32>, vector<2560x128xf32> -> vector<2560x128xf32>
    %get3A_6 = arith.constant 0 : index
    %get3A_7 = arith.constant 0 : index
    %get3A_8 = vector.load %arg3[%get3A_6, %get3A_7] : memref<1x128xf32, #tpu.memory_space<vmem>>, vector<1x128xf32>
    %add3A = vector.broadcast %get3A_8 : vector<1x128xf32> to vector<2560x128xf32>
    %add3A_9 = arith.addf %dot_general3A_5, %add3A : vector<2560x128xf32>
    %swap3A = arith.constant 0 : index
    %swap3A_10 = arith.constant 0 : index
    %swap3A_11 = vector.load %arg4[%swap3A, %swap3A_10] : memref<2560x128xf32, #tpu.memory_space<vmem>>, vector<2560x128xf32>
    tpu.vector_store %arg4[%swap3A, %swap3A_10], %add3A_9 {strides = array<i32>} : memref<2560x128xf32, #tpu.memory_space<vmem>>, vector<2560x128xf32>,
    return
  }
  func.func @transform_0(%arg0: i32) -> (i32, i32) {
    %c0_i32 = arith.constant 0 : i32
    %c0_i32_0 = arith.constant 0 : i32
    return %arg0, %c0_i32 : i32, i32
  }
  func.func @transform_1(%arg0: i32) -> (i32, i32) {
    %c0_i32 = arith.constant 0 : i32
    %c0_i32_0 = arith.constant 0 : i32
    %c0_i32_1 = arith.constant 0 : i32
    return %c0_i32, %c0_i32_0 : i32, i32
  }
  func.func @transform_2(%arg0: i32) -> (i32, i32) {
    %c0_i32 = arith.constant 0 : i32
    %c0_i32_0 = arith.constant 0 : i32
    %c0_i32_1 = arith.constant 0 : i32
    return %c0_i32, %c0_i32_0 : i32, i32
  }
  func.func @transform_3(%arg0: i32) -> (i32, i32) {
    %c0_i32 = arith.constant 0 : i32
    %c0_i32_0 = arith.constant 0 : i32
    return %arg0, %c0_i32 : i32, i32
  }
}

module attributes {stable_mosaic.version = 14 : i64} {
  func.func @_node_proj_body(%arg0: i32, %arg1: memref<1000x128xf32, #tpu.memory_space<vmem>>, %arg2: memref<128x128xf32, #tpu.memory_space<vmem>>, %arg3: memref<128x128xf32, #tpu.memory_space<vmem>>, %arg4: memref<1000x128xf32, #tpu.memory_space<vmem>>, %arg5: memref<1000x128xf32, #tpu.memory_space<vmem>>) attributes {dimension_semantics = [#tpu.dimension_semantics<arbitrary>], iteration_bounds = array<i64: 10>, scalar_prefetch = 0 : i64, scratch_operands = 0 : i64, tpu.core_type = #tpu.core_type<tc>, window_params = [{transform_indices = @transform_0, window_bounds = array<i64: 1000, 128>}, {pipeline_mode = #tpu.pipeline_mode<synchronous>, transform_indices = @transform_1, window_bounds = array<i64: 128, 128>}, {pipeline_mode = #tpu.pipeline_mode<synchronous>, transform_indices = @transform_2, window_bounds = array<i64: 128, 128>}, {transform_indices = @transform_3, window_bounds = array<i64: 1000, 128>}, {transform_indices = @transform_4, window_bounds = array<i64: 1000, 128>}]} {
    %get3A = arith.constant 0 : index
    %get3A_0 = arith.constant 0 : index
    %get3A_1 = vector.load %arg1[%get3A, %get3A_0] : memref<1000x128xf32, #tpu.memory_space<vmem>>, vector<1000x128xf32>
    %get3A_2 = arith.constant 0 : index
    %get3A_3 = arith.constant 0 : index
    %get3A_4 = vector.load %arg2[%get3A_2, %get3A_3] : memref<128x128xf32, #tpu.memory_space<vmem>>, vector<128x128xf32>
    %dot_general3A = arith.constant dense<0.000000e+00> : vector<1000x128xf32>
    %dot_general3A_5 = tpu.matmul %get3A_1, %get3A_4, %dot_general3A {dimension_numbers = #tpu.dot_dimension_numbers<[1], [1], [0], [0], [0, 0, 1, 0], [], []>, transpose_lhs_hint = false} : vector<1000x128xf32>, vector<128x128xf32>, vector<1000x128xf32> -> vector<1000x128xf32>
    %swap3A = arith.constant 0 : index
    %swap3A_6 = arith.constant 0 : index
    %swap3A_7 = vector.load %arg4[%swap3A, %swap3A_6] : memref<1000x128xf32, #tpu.memory_space<vmem>>, vector<1000x128xf32>
    tpu.vector_store %arg4[%swap3A, %swap3A_6], %dot_general3A_5 {strides = array<i32>} : memref<1000x128xf32, #tpu.memory_space<vmem>>, vector<1000x128xf32>,
    %get3A_8 = arith.constant 0 : index
    %get3A_9 = arith.constant 0 : index
    %get3A_10 = vector.load %arg3[%get3A_8, %get3A_9] : memref<128x128xf32, #tpu.memory_space<vmem>>, vector<128x128xf32>
    %dot_general3A_11 = arith.constant dense<0.000000e+00> : vector<1000x128xf32>
    %dot_general3A_12 = tpu.matmul %get3A_1, %get3A_10, %dot_general3A_11 {dimension_numbers = #tpu.dot_dimension_numbers<[1], [1], [0], [0], [0, 0, 1, 0], [], []>, transpose_lhs_hint = false} : vector<1000x128xf32>, vector<128x128xf32>, vector<1000x128xf32> -> vector<1000x128xf32>
    %swap3A_13 = arith.constant 0 : index
    %swap3A_14 = arith.constant 0 : index
    %swap3A_15 = vector.load %arg5[%swap3A_13, %swap3A_14] : memref<1000x128xf32, #tpu.memory_space<vmem>>, vector<1000x128xf32>
    tpu.vector_store %arg5[%swap3A_13, %swap3A_14], %dot_general3A_12 {strides = array<i32>} : memref<1000x128xf32, #tpu.memory_space<vmem>>, vector<1000x128xf32>,
    return
  }
  func.func @transform_0(%arg0: i32) -> (i32, i32) {
    %c0_i32 = arith.constant 0 : i32
    %c0_i32_0 = arith.constant 0 : i32
    return %arg0, %c0_i32 : i32, i32
  }
  func.func @transform_1(%arg0: i32) -> (i32, i32) {
    %c0_i32 = arith.constant 0 : i32
    %c0_i32_0 = arith.constant 0 : i32
    %c0_i32_1 = arith.constant 0 : i32
    return %c0_i32, %c0_i32_0 : i32, i32
  }
  func.func @transform_2(%arg0: i32) -> (i32, i32) {
    %c0_i32 = arith.constant 0 : i32
    %c0_i32_0 = arith.constant 0 : i32
    %c0_i32_1 = arith.constant 0 : i32
    return %c0_i32, %c0_i32_0 : i32, i32
  }
  func.func @transform_3(%arg0: i32) -> (i32, i32) {
    %c0_i32 = arith.constant 0 : i32
    %c0_i32_0 = arith.constant 0 : i32
    return %arg0, %c0_i32 : i32, i32
  }
  func.func @transform_4(%arg0: i32) -> (i32, i32) {
    %c0_i32 = arith.constant 0 : i32
    %c0_i32_0 = arith.constant 0 : i32
    return %arg0, %c0_i32 : i32, i32
  }
}

module attributes {stable_mosaic.version = 14 : i64} {
  func.func @_node_update_body(%arg0: i32, %arg1: memref<1000x128xf32, #tpu.memory_space<vmem>>, %arg2: memref<1000x128xf32, #tpu.memory_space<vmem>>, %arg3: memref<1000x128xf32, #tpu.memory_space<vmem>>, %arg4: memref<1000x128xf32, #tpu.memory_space<vmem>>, %arg5: memref<1000x128xf32, #tpu.memory_space<vmem>>, %arg6: memref<128x128xf32, #tpu.memory_space<vmem>>, %arg7: memref<1x128xf32, #tpu.memory_space<vmem>>, %arg8: memref<128x384xf32, #tpu.memory_space<vmem>>, %arg9: memref<1x128xf32, #tpu.memory_space<vmem>>, %arg10: memref<128x128xf32, #tpu.memory_space<vmem>>, %arg11: memref<1x128xf32, #tpu.memory_space<vmem>>, %arg12: memref<1x128xf32, #tpu.memory_space<vmem>>, %arg13: memref<1x128xf32, #tpu.memory_space<vmem>>, %arg14: memref<1000x128xf32, #tpu.memory_space<vmem>>) attributes {dimension_semantics = [#tpu.dimension_semantics<arbitrary>], iteration_bounds = array<i64: 10>, scalar_prefetch = 0 : i64, scratch_operands = 0 : i64, tpu.core_type = #tpu.core_type<tc>, window_params = [{transform_indices = @transform_0, window_bounds = array<i64: 1000, 128>}, {transform_indices = @transform_1, window_bounds = array<i64: 1000, 128>}, {transform_indices = @transform_2, window_bounds = array<i64: 1000, 128>}, {transform_indices = @transform_3, window_bounds = array<i64: 1000, 128>}, {transform_indices = @transform_4, window_bounds = array<i64: 1000, 128>}, {pipeline_mode = #tpu.pipeline_mode<synchronous>, transform_indices = @transform_5, window_bounds = array<i64: 128, 128>}, {pipeline_mode = #tpu.pipeline_mode<synchronous>, transform_indices = @transform_6, window_bounds = array<i64: 1, 128>}, {pipeline_mode = #tpu.pipeline_mode<synchronous>, transform_indices = @transform_7, window_bounds = array<i64: 128, 384>}, {pipeline_mode = #tpu.pipeline_mode<synchronous>, transform_indices = @transform_8, window_bounds = array<i64: 1, 128>}, {pipeline_mode = #tpu.pipeline_mode<synchronous>, transform_indices = @transform_9, window_bounds = array<i64: 128, 128>}, {pipeline_mode = #tpu.pipeline_mode<synchronous>, transform_indices = @transform_10, window_bounds = array<i64: 1, 128>}, {pipeline_mode = #tpu.pipeline_mode<synchronous>, transform_indices = @transform_11, window_bounds = array<i64: 1, 128>}, {pipeline_mode = #tpu.pipeline_mode<synchronous>, transform_indices = @transform_12, window_bounds = array<i64: 1, 128>}, {transform_indices = @transform_13, window_bounds = array<i64: 1000, 128>}]} {
    %get3A = arith.constant 0 : index
    %get3A_0 = arith.constant 0 : index
    %get3A_1 = vector.load %arg1[%get3A, %get3A_0] : memref<1000x128xf32, #tpu.memory_space<vmem>>, vector<1000x128xf32>
    %get3A_2 = arith.constant 0 : index
    %get3A_3 = arith.constant 0 : index
    %get3A_4 = vector.load %arg6[%get3A_2, %get3A_3] : memref<128x128xf32, #tpu.memory_space<vmem>>, vector<128x128xf32>
    %get3A_5 = arith.constant 0 : index
    %get3A_6 = arith.constant 0 : index
    %get3A_7 = vector.load %arg7[%get3A_5, %get3A_6] : memref<1x128xf32, #tpu.memory_space<vmem>>, vector<1x128xf32>
    %get3A_8 = arith.constant 0 : index
    %get3A_9 = arith.constant 0 : index
    %get3A_10 = vector.load %arg4[%get3A_8, %get3A_9] : memref<1000x128xf32, #tpu.memory_space<vmem>>, vector<1000x1xf32>
    %get3A_11 = arith.constant 0 : index
    %get3A_12 = arith.constant 0 : index
    %get3A_13 = vector.load %arg5[%get3A_11, %get3A_12] : memref<1000x128xf32, #tpu.memory_space<vmem>>, vector<1000x1xf32>
    %get3A_14 = arith.constant 0 : index
    %get3A_15 = arith.constant 0 : index
    %get3A_16 = vector.load %arg2[%get3A_14, %get3A_15] : memref<1000x128xf32, #tpu.memory_space<vmem>>, vector<1000x128xf32>
    %dot_general3A = arith.constant dense<0.000000e+00> : vector<1000x128xf32>
    %dot_general3A_17 = tpu.matmul %get3A_16, %get3A_4, %dot_general3A {dimension_numbers = #tpu.dot_dimension_numbers<[1], [1], [0], [0], [0, 0, 1, 0], [], []>, transpose_lhs_hint = false} : vector<1000x128xf32>, vector<128x128xf32>, vector<1000x128xf32> -> vector<1000x128xf32>
    %mul3A = vector.broadcast %get3A_10 : vector<1000x1xf32> to vector<1000x128xf32>
    %mul3A_18 = vector.broadcast %get3A_7 : vector<1x128xf32> to vector<1000x128xf32>
    %mul3A_19 = arith.mulf %mul3A, %mul3A_18 : vector<1000x128xf32>
    %add3A = arith.addf %dot_general3A_17, %mul3A_19 : vector<1000x128xf32>
    %get3A_20 = arith.constant 0 : index
    %get3A_21 = arith.constant 0 : index
    %get3A_22 = vector.load %arg3[%get3A_20, %get3A_21] : memref<1000x128xf32, #tpu.memory_space<vmem>>, vector<1000x128xf32>
    %dot_general3A_23 = arith.constant dense<0.000000e+00> : vector<1000x128xf32>
    %dot_general3A_24 = tpu.matmul %get3A_22, %get3A_4, %dot_general3A_23 {dimension_numbers = #tpu.dot_dimension_numbers<[1], [1], [0], [0], [0, 0, 1, 0], [], []>, transpose_lhs_hint = false} : vector<1000x128xf32>, vector<128x128xf32>, vector<1000x128xf32> -> vector<1000x128xf32>
    %mul3A_25 = vector.broadcast %get3A_13 : vector<1000x1xf32> to vector<1000x128xf32>
    %mul3A_26 = vector.broadcast %get3A_7 : vector<1x128xf32> to vector<1000x128xf32>
    %mul3A_27 = arith.mulf %mul3A_25, %mul3A_26 : vector<1000x128xf32>
    %add3A_28 = arith.addf %dot_general3A_24, %mul3A_27 : vector<1000x128xf32>
    %max3A = arith.constant 1.000000e+00 : f32
    %max3A_29 = vector.broadcast %max3A : f32 to vector<1000x1xf32>
    %max3A_30 = arith.maximumf %get3A_10, %max3A_29 : vector<1000x1xf32>
    %div3A = vector.broadcast %max3A_30 : vector<1000x1xf32> to vector<1000x128xf32>
    %div3A_31 = arith.divf %add3A, %div3A : vector<1000x128xf32>
    %max3A_32 = arith.constant 1.000000e+00 : f32
    %max3A_33 = vector.broadcast %max3A_32 : f32 to vector<1000x1xf32>
    %max3A_34 = arith.maximumf %get3A_13, %max3A_33 : vector<1000x1xf32>
    %div3A_35 = vector.broadcast %max3A_34 : vector<1000x1xf32> to vector<1000x128xf32>
    %div3A_36 = arith.divf %add3A_28, %div3A_35 : vector<1000x128xf32>
    %get3A_37 = arith.constant 0 : index
    %get3A_38 = arith.constant 0 : index
    %get3A_39 = vector.load %arg8[%get3A_37, %get3A_38] : memref<128x384xf32, #tpu.memory_space<vmem>>, vector<128x384xf32>
    %slice3A = vector.extract_strided_slice %get3A_39 {offsets = [0, 0], sizes = [128, 128], strides = [1, 1]} : vector<128x384xf32> to vector<128x128xf32>
    %dot_general3A_40 = arith.constant dense<0.000000e+00> : vector<1000x128xf32>
    %dot_general3A_41 = tpu.matmul %get3A_1, %slice3A, %dot_general3A_40 {dimension_numbers = #tpu.dot_dimension_numbers<[1], [1], [0], [0], [0, 0, 1, 0], [], []>, transpose_lhs_hint = false} : vector<1000x128xf32>, vector<128x128xf32>, vector<1000x128xf32> -> vector<1000x128xf32>
    %slice3A_42 = vector.extract_strided_slice %get3A_39 {offsets = [0, 128], sizes = [128, 128], strides = [1, 1]} : vector<128x384xf32> to vector<128x128xf32>
    %dot_general3A_43 = arith.constant dense<0.000000e+00> : vector<1000x128xf32>
    %dot_general3A_44 = tpu.matmul %div3A_31, %slice3A_42, %dot_general3A_43 {dimension_numbers = #tpu.dot_dimension_numbers<[1], [1], [0], [0], [0, 0, 1, 0], [], []>, transpose_lhs_hint = false} : vector<1000x128xf32>, vector<128x128xf32>, vector<1000x128xf32> -> vector<1000x128xf32>
    %add3A_45 = arith.addf %dot_general3A_41, %dot_general3A_44 : vector<1000x128xf32>
    %slice3A_46 = vector.extract_strided_slice %get3A_39 {offsets = [0, 256], sizes = [128, 128], strides = [1, 1]} : vector<128x384xf32> to vector<128x128xf32>
    %dot_general3A_47 = arith.constant dense<0.000000e+00> : vector<1000x128xf32>
    %dot_general3A_48 = tpu.matmul %div3A_36, %slice3A_46, %dot_general3A_47 {dimension_numbers = #tpu.dot_dimension_numbers<[1], [1], [0], [0], [0, 0, 1, 0], [], []>, transpose_lhs_hint = false} : vector<1000x128xf32>, vector<128x128xf32>, vector<1000x128xf32> -> vector<1000x128xf32>
    %add3A_49 = arith.addf %add3A_45, %dot_general3A_48 : vector<1000x128xf32>
    %get3A_50 = arith.constant 0 : index
    %get3A_51 = arith.constant 0 : index
    %get3A_52 = vector.load %arg9[%get3A_50, %get3A_51] : memref<1x128xf32, #tpu.memory_space<vmem>>, vector<1x128xf32>
    %add3A_53 = vector.broadcast %get3A_52 : vector<1x128xf32> to vector<1000x128xf32>
    %add3A_54 = arith.addf %add3A_49, %add3A_53 : vector<1000x128xf32>
    %max3A_55 = arith.constant 0.000000e+00 : f32
    %max3A_56 = vector.broadcast %max3A_55 : f32 to vector<1000x128xf32>
    %max3A_57 = arith.maximumf %add3A_54, %max3A_56 : vector<1000x128xf32>
    %get3A_58 = arith.constant 0 : index
    %get3A_59 = arith.constant 0 : index
    %get3A_60 = vector.load %arg10[%get3A_58, %get3A_59] : memref<128x128xf32, #tpu.memory_space<vmem>>, vector<128x128xf32>
    %dot_general3A_61 = arith.constant dense<0.000000e+00> : vector<1000x128xf32>
    %dot_general3A_62 = tpu.matmul %max3A_57, %get3A_60, %dot_general3A_61 {dimension_numbers = #tpu.dot_dimension_numbers<[1], [1], [0], [0], [0, 0, 1, 0], [], []>, transpose_lhs_hint = false} : vector<1000x128xf32>, vector<128x128xf32>, vector<1000x128xf32> -> vector<1000x128xf32>
    %get3A_63 = arith.constant 0 : index
    %get3A_64 = arith.constant 0 : index
    %get3A_65 = vector.load %arg11[%get3A_63, %get3A_64] : memref<1x128xf32, #tpu.memory_space<vmem>>, vector<1x128xf32>
    %add3A_66 = vector.broadcast %get3A_65 : vector<1x128xf32> to vector<1000x128xf32>
    %add3A_67 = arith.addf %dot_general3A_62, %add3A_66 : vector<1000x128xf32>
    %add3A_68 = arith.addf %get3A_1, %add3A_67 : vector<1000x128xf32>
    %reduce_sum3A = arith.constant dense<0.000000e+00> : vector<1000xf32>
    %reduce_sum3A_69 = vector.multi_reduction <add>, %add3A_68, %reduce_sum3A [1] : vector<1000x128xf32> to vector<1000xf32>
    %broadcast_in_dim3A = vector.shape_cast %reduce_sum3A_69 : vector<1000xf32> to vector<1000x1xf32>
    %div3A_70 = arith.constant 1.280000e+02 : f32
    %div3A_71 = vector.broadcast %div3A_70 : f32 to vector<1000x1xf32>
    %div3A_72 = arith.divf %broadcast_in_dim3A, %div3A_71 : vector<1000x1xf32>
    %sub3A = vector.broadcast %div3A_72 : vector<1000x1xf32> to vector<1000x128xf32>
    %sub3A_73 = arith.subf %add3A_68, %sub3A : vector<1000x128xf32>
    %integer_pow3A = arith.mulf %sub3A_73, %sub3A_73 : vector<1000x128xf32>
    %reduce_sum3A_74 = arith.constant dense<0.000000e+00> : vector<1000xf32>
    %reduce_sum3A_75 = vector.multi_reduction <add>, %integer_pow3A, %reduce_sum3A_74 [1] : vector<1000x128xf32> to vector<1000xf32>
    %broadcast_in_dim3A_76 = vector.shape_cast %reduce_sum3A_75 : vector<1000xf32> to vector<1000x1xf32>
    %div3A_77 = arith.constant 1.280000e+02 : f32
    %div3A_78 = vector.broadcast %div3A_77 : f32 to vector<1000x1xf32>
    %div3A_79 = arith.divf %broadcast_in_dim3A_76, %div3A_78 : vector<1000x1xf32>
    %sub3A_80 = vector.broadcast %div3A_72 : vector<1000x1xf32> to vector<1000x128xf32>
    %sub3A_81 = arith.subf %add3A_68, %sub3A_80 : vector<1000x128xf32>
    %add3A_82 = arith.constant 9.99999974E-6 : f32
    %add3A_83 = vector.broadcast %add3A_82 : f32 to vector<1000x1xf32>
    %add3A_84 = arith.addf %div3A_79, %add3A_83 : vector<1000x1xf32>
    %rsqrt3A = math.rsqrt %add3A_84 : vector<1000x1xf32>
    %mul3A_85 = vector.broadcast %rsqrt3A : vector<1000x1xf32> to vector<1000x128xf32>
    %mul3A_86 = arith.mulf %sub3A_81, %mul3A_85 : vector<1000x128xf32>
    %get3A_87 = arith.constant 0 : index
    %get3A_88 = arith.constant 0 : index
    %get3A_89 = vector.load %arg12[%get3A_87, %get3A_88] : memref<1x128xf32, #tpu.memory_space<vmem>>, vector<1x128xf32>
    %mul3A_90 = vector.broadcast %get3A_89 : vector<1x128xf32> to vector<1000x128xf32>
    %mul3A_91 = arith.mulf %mul3A_86, %mul3A_90 : vector<1000x128xf32>
    %get3A_92 = arith.constant 0 : index
    %get3A_93 = arith.constant 0 : index
    %get3A_94 = vector.load %arg13[%get3A_92, %get3A_93] : memref<1x128xf32, #tpu.memory_space<vmem>>, vector<1x128xf32>
    %add3A_95 = vector.broadcast %get3A_94 : vector<1x128xf32> to vector<1000x128xf32>
    %add3A_96 = arith.addf %mul3A_91, %add3A_95 : vector<1000x128xf32>
    %swap3A = arith.constant 0 : index
    %swap3A_97 = arith.constant 0 : index
    %swap3A_98 = vector.load %arg14[%swap3A, %swap3A_97] : memref<1000x128xf32, #tpu.memory_space<vmem>>, vector<1000x128xf32>
    tpu.vector_store %arg14[%swap3A, %swap3A_97], %add3A_96 {strides = array<i32>} : memref<1000x128xf32, #tpu.memory_space<vmem>>, vector<1000x128xf32>,
    return
  }
  func.func @transform_0(%arg0: i32) -> (i32, i32) {
    %c0_i32 = arith.constant 0 : i32
    %c0_i32_0 = arith.constant 0 : i32
    return %arg0, %c0_i32 : i32, i32
  }
  func.func @transform_1(%arg0: i32) -> (i32, i32) {
    %c0_i32 = arith.constant 0 : i32
    %c0_i32_0 = arith.constant 0 : i32
    return %arg0, %c0_i32 : i32, i32
  }
  func.func @transform_2(%arg0: i32) -> (i32, i32) {
    %c0_i32 = arith.constant 0 : i32
    %c0_i32_0 = arith.constant 0 : i32
    return %arg0, %c0_i32 : i32, i32
  }
  func.func @transform_3(%arg0: i32) -> (i32, i32) {
    %c0_i32 = arith.constant 0 : i32
    %c0_i32_0 = arith.constant 0 : i32
    return %arg0, %c0_i32 : i32, i32
  }
  func.func @transform_4(%arg0: i32) -> (i32, i32) {
    %c0_i32 = arith.constant 0 : i32
    %c0_i32_0 = arith.constant 0 : i32
    return %arg0, %c0_i32 : i32, i32
  }
  func.func @transform_5(%arg0: i32) -> (i32, i32) {
    %c0_i32 = arith.constant 0 : i32
    %c0_i32_0 = arith.constant 0 : i32
    %c0_i32_1 = arith.constant 0 : i32
    return %c0_i32, %c0_i32_0 : i32, i32
  }
  func.func @transform_6(%arg0: i32) -> (i32, i32) {
    %c0_i32 = arith.constant 0 : i32
    %c0_i32_0 = arith.constant 0 : i32
    %c0_i32_1 = arith.constant 0 : i32
    return %c0_i32, %c0_i32_0 : i32, i32
  }
  func.func @transform_7(%arg0: i32) -> (i32, i32) {
    %c0_i32 = arith.constant 0 : i32
    %c0_i32_0 = arith.constant 0 : i32
    %c0_i32_1 = arith.constant 0 : i32
    return %c0_i32, %c0_i32_0 : i32, i32
  }
  func.func @transform_8(%arg0: i32) -> (i32, i32) {
    %c0_i32 = arith.constant 0 : i32
    %c0_i32_0 = arith.constant 0 : i32
    %c0_i32_1 = arith.constant 0 : i32
    return %c0_i32, %c0_i32_0 : i32, i32
  }
  func.func @transform_9(%arg0: i32) -> (i32, i32) {
    %c0_i32 = arith.constant 0 : i32
    %c0_i32_0 = arith.constant 0 : i32
    %c0_i32_1 = arith.constant 0 : i32
    return %c0_i32, %c0_i32_0 : i32, i32
  }
  func.func @transform_10(%arg0: i32) -> (i32, i32) {
    %c0_i32 = arith.constant 0 : i32
    %c0_i32_0 = arith.constant 0 : i32
    %c0_i32_1 = arith.constant 0 : i32
    return %c0_i32, %c0_i32_0 : i32, i32
  }
  func.func @transform_11(%arg0: i32) -> (i32, i32) {
    %c0_i32 = arith.constant 0 : i32
    %c0_i32_0 = arith.constant 0 : i32
    %c0_i32_1 = arith.constant 0 : i32
    return %c0_i32, %c0_i32_0 : i32, i32
  }
  func.func @transform_12(%arg0: i32) -> (i32, i32) {
    %c0_i32 = arith.constant 0 : i32
    %c0_i32_0 = arith.constant 0 : i32
    %c0_i32_1 = arith.constant 0 : i32
    return %c0_i32, %c0_i32_0 : i32, i32
  }
  func.func @transform_13(%arg0: i32) -> (i32, i32) {
    %c0_i32 = arith.constant 0 : i32
    %c0_i32_0 = arith.constant 0 : i32
    return %arg0, %c0_i32 : i32, i32
  }
}

</mosaic_0001>

<sc_bundles>
// kernel: kernel.6.cloned.1.call-start
scs
__scs_entry_jumppad:
0x0: {  	(pc) =	sbr.rel $0x88, $3  }
0x1: {  	(tag) =	ssettag $0x0;
	lr =	simm.s32 $0x1  }
0x2: {  	[smem:$0x3F94] =	sst lr;
	_ =	strace $0xD0000000  }
0x3: {  	_ = 	snop  }
0x4: {  	_ = 	snop  }
0x5: {  	_ = 	snop  }
0x6: {  	_ = 	snop  }
0x7: {  	_ = 	snop  }
__scs_overlays_trampoline_lowered:
0x8: {  	[smem:$0x3FA3] =	sst s0  }
0x9: {  	[smem:$0x3FA4] =	sst s1  }
0xa: {  	[smem:$0x3FA5] =	sst s2  }
0xb: {  	[smem:$0x3FA6] =	sst s3  }
0xc: {  	[smem:$0x3FA7] =	sst s4  }
0xd: {  	[smem:$0x3FA8] =	sst s5  }
0xe: {  	[smem:$0x3FA9] =	sst s6  }
0xf: {  	[smem:$0x3FAA] =	sst s7  }
0x10: {  	[smem:$0x3FAB] =	sst s8  }
0x11: {  	[smem:$0x3FAC] =	sst s9;
	s0 =	simm.s32 @!p0 $0x0  }
0x12: {  	s1 =	sld [smem:$0x3F92];
	s0 =	simm.s32 @p0 $0x1  }
0x13: {  	[smem:$0x3FAD] =	sst s0;
	s0 =	simm.s32 @!p1 $0x0  }
0x14: {  	s2 =	sld [smem:$0x3F91];
	s0 =	simm.s32 @p1 $0x1  }
0x15: {  	[smem:$0x3FAE] =	sst s0;
	s0 =	simm.s32 @!p2 $0x0  }
0x16: {  	s3 =	sld [smem:$0x3FDB];
	s0 =	simm.s32 @p2 $0x1  }
0x17: {  	s4 =	simm.s32 $0x1BF5;
	[smem:$0x3FB0] =	sst s0  }
0x18: {  	s0 =	sld [smem:$0x3F93];
	_ =	swait.ge [sflag:s4], $0x0  }
0x19: {  	s7 =	sld [smem:$0x3F94]  }
0x1a: {  	s8 =	sadd.s32 $0xFFFFE003, lr  }
0x1b: {  	s9 =	sadd.s32 $0xFFFFFEF7, lr;
	s5 =	simm.s32 $0xFFFFFFFF;
	p2 =	slt.u32 s8, $0xFFFFF086  }
0x1c: {  	p1 =	slt.u32 s9, $0xF7A;
	s5 =	simm.s32 @!p2 $0x0  }
0x1d: {  	s5 =	simm.s32 @p1 $0x1;
	p0 =	seq.s32 s7, s2  }
0x1e: {  	s7 =	smul.u32 @!p0 $0xF7A, s2;
	p2 =	seq.s32 @!p0 s5, $0x0  }
0x1f: {  	s9 =	smul.u32 $0xF7A, s1;
	s8 =	simm.s32 @!p0 $0x1BF5;
	p2 =	por !p2, p0  }
0x20: {  	[sflag:s8] =	ssyncset.s32 @!p0 $0xFFFFF086;
	s6 =	sadd.s32 @!p0 s3, s7;
	s7 =	simm.s32 @!p0 $0x108  }
0x21: {  	s3 =	sadd.s32 s3, s9;
	s6 =	sadd.s32 @!p0 $0x88, s6;
	s7 =	simm.s32 @p2 $0x1082  }
0x22: {  	[simem:s7], [sflag:s8] =	dma.local @!p0 [hbm:s6], $0xF7A  }
0x23: {  	s9 =	sor.u32 $0xD0000000, s2;
	s6 =	simm.s32 $0x108;
	_ =	swait.ge @!p0 [sflag:s8], $0x0  }
0x24: {  	s3 =	sadd.s32 $0x88, s3;
	s6 =	simm.s32 @!p1 $0x1082;
	[sflag:s4] =	ssyncset.s32 $0xFFFFF086  }
0x25: {  	[simem:s6], [sflag:s4] =	dma.local [hbm:s3], $0xF7A  }
0x26: {  	[smem:$0x3F94] =	sst s1;
	(tag) =	ssettag s2;
	_ =	strace s9  }
0x27: {  	s1 =	sld [smem:$0x3FA4]  }
0x28: {  	s2 =	sld [smem:$0x3FA5]  }
0x29: {  	s4 =	sld [smem:$0x3FA7]  }
0x2a: {  	p0 =	seq.s32 s5, $0x0;
	s5 =	sld [smem:$0x3FA8]  }
0x2b: {  	s6 =	sld [smem:$0x3FA9]  }
0x2c: {  	s7 =	sld [smem:$0x3FAA]  }
0x2d: {  	s3 =	simm.s32 $0x108;
	s8 =	sld [smem:$0x3FAB]  }
0x2e: {  	s3 =	simm.s32 @!p0 $0x1082;
	s9 =	sld [smem:$0x3FAC]  }
0x2f: {  	lr =	sadd.s32 s0, s3;
	s0 =	sld [smem:$0x3FA3]  }
0x30: {  	s3 =	sld [smem:$0x3FA6]  }
0x31: {  	[smem:$0x3FAF] =	sst s10  }
0x32: {  	s10 =	sld [smem:$0x3FAD];
	_ =	sdelay $0x3  }
0x33: {  	p0 =	seq.s32 s10, $0x1;
	s10 =	sld [smem:$0x3FAF];
	_ =	sdelay $0x3  }
0x34: {  	[smem:$0x3FAF] =	sst s10  }
0x35: {  	s10 =	sld [smem:$0x3FAE];
	_ =	sdelay $0x3  }
0x36: {  	p1 =	seq.s32 s10, $0x1;
	s10 =	sld [smem:$0x3FAF];
	_ =	sdelay $0x3  }
0x37: {  	[smem:$0x3FAF] =	sst s10  }
0x38: {  	s10 =	sld [smem:$0x3FB0]  }
0x39: {  	_ = 	snop;
	(pc) =	sbr.ind lr, $3  }
0x3a: {  	_ = 	snop  }
0x3b: {  	_ = 	snop  }
0x3c: {  	p2 =	seq.s32 s10, $0x1;
	s10 =	sld [smem:$0x3FAF]  }
0x3d: {  	_ =	shalt  }
0x3e: {  	_ =	shalt  }
0x3f: {  	_ =	shalt  }
0x40: {  	_ =	shalt  }
0x41: {  	_ =	shalt  }
0x42: {  	_ =	shalt  }
0x43: {  	_ =	shalt  }
0x44: {  	_ =	shalt  }
0x45: {  	_ =	shalt  }
0x46: {  	_ =	shalt  }
0x47: {  	_ =	shalt  }
0x48: {  	_ =	shalt  }
0x49: {  	_ =	shalt  }
0x4a: {  	_ =	shalt  }
0x4b: {  	_ =	shalt  }
0x4c: {  	_ =	shalt  }
0x4d: {  	_ =	shalt  }
0x4e: {  	_ =	shalt  }
0x4f: {  	_ =	shalt  }
0x50: {  	_ =	shalt  }
0x51: {  	_ =	shalt  }
0x52: {  	_ =	shalt  }
0x53: {  	_ =	shalt  }
0x54: {  	_ =	shalt  }
0x55: {  	_ =	shalt  }
0x56: {  	_ =	shalt  }
0x57: {  	_ =	shalt  }
0x58: {  	_ =	shalt  }
0x59: {  	_ =	shalt  }
0x5a: {  	_ =	shalt  }
0x5b: {  	_ =	shalt  }
0x5c: {  	_ =	shalt  }
0x5d: {  	_ =	shalt  }
0x5e: {  	_ =	shalt  }
0x5f: {  	_ =	shalt  }
0x60: {  	_ =	shalt  }
0x61: {  	_ =	shalt  }
0x62: {  	_ =	shalt  }
0x63: {  	_ =	shalt  }
0x64: {  	_ =	shalt  }
0x65: {  	_ =	shalt  }
0x66: {  	_ =	shalt  }
0x67: {  	_ =	shalt  }
0x68: {  	_ =	shalt  }
0x69: {  	_ =	shalt  }
0x6a: {  	_ =	shalt  }
0x6b: {  	_ =	shalt  }
0x6c: {  	_ =	shalt  }
0x6d: {  	_ =	shalt  }
0x6e: {  	_ =	shalt  }
0x6f: {  	_ =	shalt  }
0x70: {  	_ =	shalt  }
0x71: {  	_ =	shalt  }
0x72: {  	_ =	shalt  }
0x73: {  	_ =	shalt  }
0x74: {  	_ =	shalt  }
0x75: {  	_ =	shalt  }
0x76: {  	_ =	shalt  }
0x77: {  	_ =	shalt  }
0x78: {  	_ =	shalt  }
0x79: {  	_ =	shalt  }
0x7a: {  	_ =	shalt  }
0x7b: {  	_ =	shalt  }
0x7c: {  	_ =	shalt  }
0x7d: {  	_ =	shalt  }
0x7e: {  	_ =	shalt  }
0x7f: {  	_ =	shalt  }
0x80: {  	_ =	shalt  }
0x81: {  	_ =	shalt  }
0x82: {  	_ =	shalt  }
0x83: {  	_ =	shalt  }
0x84: {  	_ =	shalt  }
0x85: {  	_ =	shalt  }
0x86: {  	_ =	shalt  }
0x87: {  	_ =	shalt  }
.Lfunc_end0:
.L_simem_size_0:
called_computation_lowered:
.L_overlay_start_0:
0x88: {  	s2 =	sld [smem:$0x3FD9]  }
0x89: {  	s3 =	sld [smem:$0x3FFE];
	_ =	sdelay $0x1  }
0x8a: {  	s1 =	srdreg.scid  }
0x8b: {  	s0 =	sand.u32 $0x1, s1  }
0x8c: {  	s17 =	sshll.u32 s0, $0xA;
	s2 =	sadd.s32 s3, s2  }
0x8d: {  	s2 =	sadd.s32 s2, s17  }
0x8e: {  	[smem:$0x3FBB] =	sst s2  }
0x8f: {  	_ = 	snop  }
0x90: {  	s2 =	sld [smem:$0x3FD0];
	(tm) =	ssettm $0x1  }
0x91: {  	s18 =	sld [smem:$0x3FFB];
	_ =	sdelay $0x3  }
0x92: {  	_ =	strace s18  }
0x93: {  	s3 =	sld [smem:$0x3FFC];
	_ =	sdelay $0x3  }
0x94: {  	_ =	strace s3  }
0x95: {  	s3 =	sld [smem:$0x3FFD];
	_ =	sdelay $0x3  }
0x96: {  	_ =	strace s3  }
0x97: {  	_ =	strace $0x8FFFFFFF  }
0x98: {  	s19 =	sld [smem:$0x3FDB];
	_ =	sdelay $0x1  }
0x99: {  	s4 =	simm.s32 $_scs_section_size  }
0x9a: {  	s5 =	simm.s32 $_size__tile_overlayer_lowered;
	s6 =	simm.s32 $_tile_overlayer_lowered  }
0x9b: {  	s22 =	simm.s32 $0x1BFF;
	s21 =	sshll.u32 s6, $0x1;
	s3 =	sadd.s32 s4, s19  }
0x9c: {  	s7 =	simm.s32 $0x0;
	s20 =	sshll.u32 s5, $0x1;
	s5 =	sadd.s32 s21, s3  }
0x9d: {  	[timem:s7], [sflag:s22] =	dma.local [hbm:s5], s20  }
0x9e: {  	_ =	swait.ge [sflag:s22], s20  }
0x9f: {  	s4 =	ssub.s32 $0x0, s20;
	[sflag:s22] =	ssyncset.done $0x0  }
0xa0: {  	[sflag:s22] =	ssyncadd.s32 s4;
	_ =	sdelay $0x1  }
0xa1: {  	s23 =	simm.s32 $0x1B8B  }
0xa2: {  	_ =	swait.ge [sflag:s23], $0x1  }
0xa3: {  	[sflag:s23] =	ssyncset.done $0x0  }
0xa4: {  	s25 =	simm.s32 $0x1B8E;
	s24 =	sld [smem:$0x3FFE];
	[sflag:s23] =	ssyncadd.s32 $0xFFFFFFFF  }
0xa5: {  	s26 =	simm.s32 $execute0_lowered;
	[smem:$0x3FD2] =	sst s25  }
0xa6: {  	s5 =	sshll.u32 s26, $0x1;
	_ =	strace $0x80000046;
	[dreg:$0x1] =	wrdreg $0xFFFFFFFF  }
0xa7: {  	s28 =	simm.s32 $_size_execute0_lowered;
	s3 =	sadd.s32 s3, s5;
	[dreg:$0x0] =	wrdreg $0x0  }
0xa8: {  	s5 =	sshll.u32 s28, $0x1;
	[dreg:$0x2] =	wrdreg s3  }
0xa9: {  	[dreg:$0x3] =	wrdreg s5  }
0xaa: {  	[dreg:$0x4] =	wrdreg $0xC0  }
0xab: {  	_ =	task [dreg:s7], $0x5FFFF  }
0xac: {  	[dreg:$0x1] =	wrdreg $0xFFFFFFFF  }
0xad: {  	[dreg:$0x0] =	wrdreg $0x60  }
0xae: {  	[dreg:$0x2] =	wrdreg s2  }
0xaf: {  	[dreg:$0x3] =	wrdreg s24  }
0xb0: {  	[dreg:$0x4] =	wrdreg $0xA5800  }
0xb1: {  	[dreg:$0x5] =	wrdreg $0x9  }
0xb2: {  	_ =	task.clear_ibuf [dreg:s7], $0x6FFFF;
	_ =	strace $0x90000046  }
0xb3: {  	s29 =	simm.s32 $0x9;
	_ =	strace $0x80000048  }
0xb4: {  	_ =	swait.ge [sflag:s29], $0x1  }
0xb5: {  	[sflag:s29] =	ssyncadd.s32 $0xFFFFFFFF  }
0xb6: {  	_ =	strace $0x90000048  }
0xb7: {  	_ =	sfence  }
0xb8: {  	s30 =	sld [smem:$0x0];
	_ =	sdelay $0x2  }
0xb9: {  	s31 =	sshll.u32 s1, $0xD;
	s1 =	sshrl.u32 s1, $0x2  }
0xba: {  	s3 =	sand.u32 $0x4000, s31;
	s1 =	sadd.s32 s1, s30  }
0xbb: {  	s0 =	sor.u32 s3, s0;
	s1 =	sshll.u32 s1, $0x11  }
0xbc: {  	s0 =	sor.u32 s1, s0  }
0xbd: {  	s0 =	sadd.s32 $0x8F2B, s0  }
0xbe: {  	[sflag:s0] =	ssyncadd.remote.s32 $0x1  }
0xbf: {  	_ =	sfence.sel $0xFFFF  }
0xc0: {  	[dreg:$0x0] =	wrdreg $0xFFFFFFFF;
	(pc) =	sbr.abs _section_cstart, $3  }
0xc1: {  	[dreg:$0x1] =	wrdreg $0xFFFFFFFF  }
0xc2: {  	_ =	task.clear_ibuf [dreg:s7], $0x2FFFF;
	_ =	strace $0x9FFFFFFF  }
0xc3: {  	(tm) =	ssettm $0x7FFFFFFF  }
tec
execute0_lowered:
.L_overlay_start_1:
0x0: {  	(tag) =	ssettag $0x1  }
0x1: {  	s1 =	rddreg [dreg:$0x0]  }
0x2: {  	s0 =	rddreg [dreg:$0x1]  }
0x3: {  	s2 =	rddreg [dreg:$0x2];
	s3 =	simm.s32 $0x0  }
0x4: {  	s4 =	srdreg.scid;
	s15 =	stileid.u32;
	s19 =	simm.s32 $0x5180  }
0x5: {  	s20 =	simm.s32 $0x4;
	s28 =	simm.s32 $0x2980;
	s29 =	simm.s32 $0x1  }
0x6: {  	s30 =	simm.s32 $0x2;
	[smem:$0x7FF] =	sst s3;
	s5 =	sadd.s32 $0x16000, s0  }
0x7: {  	s6 =	sadd.s32 $0x3D200, s0;
	s7 =	sadd.s32 $0xC200, s0;
	s9 =	smul.u32 $0x50000, s15  }
0x8: {  	s31 =	simm.s32 $0x3;
	s11 =	sadd.s32 $0x51F200, s0;
	s12 =	sadd.s32 $0x547200, s0  }
0x9: {  	s8 =	sadd.s32 $0x2400, s0;
	s13 =	sadd.s32 $0x56F200, s0;
	s21 =	smul.u32 $0x2800, s15  }
0xa: {  	s4 =	sand.u32 $0x1, s4;
	s0 =	sadd.s32 $0x597200, s0;
	s25 =	smul.u32 $0x9C4, s15  }
0xb: {  	_ =	strace $0x80000047;
	s10 =	ssub.s32 $0x2, s4;
	p1 =	seq.s32 s4, $0x1  }
0xc: {  	p0 =	seq.s32 s4, $0x0;
	s4 =	simm.s32 $0x0;
	s14 =	sshrl.u32 s10, $0x1  }
0xd: {  	s9 =	sshrl.u32 s9, $0x2;
	s0 =	smov.u32 @p0 s13;
	s13 =	smov.u32 s8  }
0xe: {  	s12 =	smov.u32 @p0 s11;
	s14 =	ssub.s32 s10, s14;
	s9 =	sadd.s32 s9, s2  }
0xf: {  	s10 =	smul.u32 $0x4E20, s15;
	s13 =	smov.u32 @p1 s7;
	s0 =	sadd.s32 s0, s21  }
0x10: {  	s26 =	sadd.s32 s12, s21;
	s21 =	simm.s32 $0x100;
	[dreg:$0x9] =	wrdreg s0  }
0x11: {  	s14 =	smax.u32 s14, $0x1;
	s17 =	sadd.s32 $0x4000, s9;
	[dreg:$0xa] =	wrdreg s26  }
0x12: {  	s22 =	sadd.s32 $0x8000, s9;
	s23 =	sadd.s32 $0xC000, s9;
	[dreg:$0x4] =	wrdreg s14  }
0x13: {  	s24 =	sadd.s32 $0x10000, s9;
	s18 =	sadd.s32 s25, s13;
	[dreg:$0x6] =	wrdreg s22  }
0x14: {  	s25 =	simm.s32 $0x180;
	s26 =	simm.s32 $0x1580;
	[dreg:$0x7] =	wrdreg s23  }
0x15: {  	s0 =	simm.s32 $0x3D80;
	[dreg:$0x8] =	wrdreg s24;
	s22 =	simm.s32 $0x28  }
0x16: {  	v0 =	vimm.f32 $0.0e+00;
	v1 =	vimm.f32 $1.000000000e+00;
	s23 =	simm.s32 $0x9180;
	s24 =	simm.s32 $0x80;
	[dreg:$0x5] =	wrdreg s17  }
.LBB2_1:
0x17: {  	s11 =	simm.s32 $0x0;
	s12 =	simm.s32 $0x0  }
.LBB2_2:
0x18: {  	p1 =	sne.s32 s12, $0xFFC0  }
.Ltmp0:
0x19: {  	_ = 	snop;
	(pc) =	sbr.rel @p1 .LBB2_2-.Ltmp0, $4  }
0x1a: {  	s13 =	sand.u32 $0xFE00, s12  }
0x1b: {  	s14 =	sand.u32 $0x70, s11;
	s13 =	sshrl.u32 s13, $0x2  }
0x1c: {  	s13 =	sor.u32 s14, s13  }
0x1d: {  	s11 =	sadd.s32 $0x10, s11;
	s12 =	sadd.s32 $0x40, s12;
	[tilespmem:s13+$0x5180] =	vst v0  }
0x1e: {  	s11 =	simm.s32 $0x0  }
0x1f: {  	s12 =	sand.u32 $0x7E00, s11  }
0x20: {  	s13 =	sand.u32 $0x70, s11;
	s14 =	sshrl.u32 s12, $0x2  }
0x21: {  	s12 =	simm.s32 $0x40;
	s13 =	sor.u32 s13, s14  }
.LBB2_4:
0x22: {  	p1 =	sne.s32 s12, $0x4FC0  }
0x23: {  	[tilespmem:s13+$0x9180] =	vst v1;
	s11 =	sadd.s32 $0x10, s11;
	s13 =	smov.u32 s12;
	s12 =	sadd.s32 $0x40, s12  }
.Ltmp1:
0x24: {  	(pc) =	sbr.rel @p1 .LBB2_4-.Ltmp1, $4  }
0x25: {  	_ = 	snop  }
0x26: {  	s13 =	sand.u32 $0x7E00, s13  }
0x27: {  	s14 =	sand.u32 $0x70, s11;
	s13 =	sshrl.u32 s13, $0x2  }
0x28: {  	s13 =	sor.u32 s14, s13  }
0x29: {  	[tilespmem:s13+$0x9180] =	vst v1  }
0x2a: {  	[spmem:s9] =	stream.linear.scatter [tilespmem:s19], [sflag:$0x4], $0x4000, $0x38;
	[tilespmem:$0x1E580] =	vst v63  }
0x2b: {  	_ =	swait.ge [sflag:s20], $0x4000  }
0x2c: {  	[sflag:s20] =	ssyncset.done $0x0  }
0x2d: {  	[sflag:s20] =	ssyncadd.s32 $0xFFFFC000  }
0x2e: {  	[spmem:s17] =	stream.linear.scatter [tilespmem:s19], [sflag:$0x4], $0x4000, $0x38;
	[tilespmem:$0x1E580] =	vst v63  }
0x2f: {  	_ =	swait.ge [sflag:s20], $0x4000  }
0x30: {  	[sflag:s20] =	ssyncset.done $0x0  }
0x31: {  	s11 =	rddreg [dreg:$0x6];
	[sflag:s20] =	ssyncadd.s32 $0xFFFFC000  }
0x32: {  	[spmem:s11] =	stream.linear.scatter [tilespmem:s19], [sflag:$0x4], $0x4000, $0x38;
	[tilespmem:$0x1E580] =	vst v63  }
0x33: {  	_ =	swait.ge [sflag:s20], $0x4000  }
0x34: {  	[sflag:s20] =	ssyncset.done $0x0  }
0x35: {  	s14 =	rddreg [dreg:$0x7];
	[sflag:s20] =	ssyncadd.s32 $0xFFFFC000  }
0x36: {  	[spmem:s14] =	stream.linear.scatter [tilespmem:s19], [sflag:$0x4], $0x4000, $0x38;
	[tilespmem:$0x1E580] =	vst v63  }
0x37: {  	_ =	swait.ge [sflag:s20], $0x4000  }
0x38: {  	[sflag:s20] =	ssyncset.done $0x0  }
0x39: {  	s15 =	rddreg [dreg:$0x8];
	[sflag:s20] =	ssyncadd.s32 $0xFFFFC000  }
0x3a: {  	[spmem:s15] =	stream.linear.scatter [tilespmem:s19], [sflag:$0x4], $0x4000, $0x38;
	[tilespmem:$0x1E580] =	vst v63  }
0x3b: {  	_ =	swait.ge [sflag:s20], $0x4000  }
0x3c: {  	[sflag:s20] =	ssyncset.done $0x0  }
0x3d: {  	[sflag:s20] =	ssyncadd.s32 $0xFFFFC000  }
0x3e: {  	s16 =	sadd.s32 $0x0, s18;
	[bflag:$0x0] =	sbarrier.arrive $0xFFFF  }
0x3f: {  	[tilespmem:s21], [sflag:$0x4] =	stream.linear.gather [hbm4b:s16+s3], $0x28, $0x38;
	[tilespmem:$0x1E580] =	vst v63  }
0x40: {  	_ =	swait.ge [sflag:s20], $0x28  }
0x41: {  	[sflag:s20] =	ssyncset.done $0x0  }
0x42: {  	[sflag:s20] =	ssyncadd.s32 $0xFFFFFFD8  }
0x43: {  	[spmem:s2] =	stream.indirect.scatter.add.f32 [tilespmem:s23], [sflag:$0x4], $0x80, s21, s22, $0xb8;
	[tilespmem:$0x1E580] =	vst v63  }
0x44: {  	_ =	swait.ge [sflag:s20], $0x1400  }
0x45: {  	s12 =	simm.s32 $0xA;
	s11 =	simm.s32 $0x5;
	[sflag:s20] =	ssyncset.done $0x0  }
.LBB2_6:
0x46: {  	s13 =	sadd.s32 s11, s18  }
0x47: {  	[sflag:s20] =	ssyncadd.s32 $0xFFFFEC00;
	s11 =	smov.u32 s12;
	s14 =	sadd.s32 $0x5, s12  }
0x48: {  	[tilespmem:s21], [sflag:$0x4] =	stream.linear.gather [hbm4b:s13+s3], $0x28, $0x38;
	[tilespmem:$0x1E580] =	vst v63  }
0x49: {  	p1 =	sne.s32 s12, $0x9BF;
	_ =	swait.ge [sflag:s20], $0x28  }
.Ltmp2:
0x4a: {  	[sflag:s20] =	ssyncset.done $0x0;
	(pc) =	sbr.rel @p1 .LBB2_6-.Ltmp2, $4  }
0x4b: {  	[sflag:s20] =	ssyncadd.s32 $0xFFFFFFD8  }
0x4c: {  	[spmem:s2] =	stream.indirect.scatter.add.f32 [tilespmem:s23], [sflag:$0x4], $0x80, s21, s22, $0xb8;
	[tilespmem:$0x1E580] =	vst v63  }
0x4d: {  	_ =	swait.ge [sflag:s20], $0x1400  }
0x4e: {  	s12 =	smov.u32 s14;
	[sflag:s20] =	ssyncset.done $0x0  }
0x4f: {  	s11 =	sadd.s32 s11, s18;
	[sflag:s20] =	ssyncadd.s32 $0xFFFFEC00  }
0x50: {  	[tilespmem:s21], [sflag:$0x4] =	stream.linear.gather [hbm4b:s11+s3], $0x28, $0x38;
	[tilespmem:$0x1E580] =	vst v63  }
0x51: {  	_ =	swait.ge [sflag:s20], $0x28  }
0x52: {  	[sflag:s20] =	ssyncset.done $0x0  }
0x53: {  	[sflag:s20] =	ssyncadd.s32 $0xFFFFFFD8  }
0x54: {  	[spmem:s2] =	stream.indirect.scatter.add.f32 [tilespmem:s23], [sflag:$0x4], $0x80, s21, s22, $0xb8;
	[tilespmem:$0x1E580] =	vst v63  }
0x55: {  	_ =	swait.ge [sflag:s20], $0x1400  }
0x56: {  	[sflag:s20] =	ssyncset.done $0x0  }
0x57: {  	s13 =	stileid.u32;
	[sflag:s20] =	ssyncadd.s32 $0xFFFFEC00  }
0x58: {  	s11 =	sshll.u32 s13, $0x6;
	[bflag:$0x0] =	sbarrier.arrive $0xFFFF  }
0x59: {  	s16 =	sshrl.u32 s9, $0x3;
	s11 =	sor.u32 $0x1C04, s11;
	s12 =	rddreg [dreg:$0x9]  }
0x5a: {  	[hbm:s12], [sflag:s11] =	dma.local [spmem:s16], $0x2800  }
0x5b: {  	_ =	swait.ge [sflag:s20], $0x2800  }
0x5c: {  	[sflag:s20] =	ssyncset.done $0x0  }
0x5d: {  	[sflag:s20] =	ssyncadd.s32 $0xFFFFD800  }
0x5e: {  	[bflag:$0x0] =	sbarrier.arrive $0xFFFF  }
0x5f: {  	[spmem:s9] =	stream.linear.scatter [tilespmem:s19], [sflag:$0x4], $0x4000, $0x38;
	[tilespmem:$0x1E580] =	vst v63  }
0x60: {  	_ =	swait.ge [sflag:s20], $0x4000  }
0x61: {  	[sflag:s20] =	ssyncset.done $0x0  }
0x62: {  	[sflag:s20] =	ssyncadd.s32 $0xFFFFC000  }
0x63: {  	[spmem:s17] =	stream.linear.scatter [tilespmem:s19], [sflag:$0x4], $0x4000, $0x38;
	[tilespmem:$0x1E580] =	vst v63  }
0x64: {  	_ =	swait.ge [sflag:s20], $0x4000  }
0x65: {  	[sflag:s20] =	ssyncset.done $0x0  }
0x66: {  	s14 =	rddreg [dreg:$0x6];
	[sflag:s20] =	ssyncadd.s32 $0xFFFFC000  }
0x67: {  	[spmem:s14] =	stream.linear.scatter [tilespmem:s19], [sflag:$0x4], $0x4000, $0x38;
	[tilespmem:$0x1E580] =	vst v63  }
0x68: {  	_ =	swait.ge [sflag:s20], $0x4000  }
0x69: {  	[sflag:s20] =	ssyncset.done $0x0  }
0x6a: {  	s15 =	rddreg [dreg:$0x7];
	[sflag:s20] =	ssyncadd.s32 $0xFFFFC000  }
0x6b: {  	[spmem:s15] =	stream.linear.scatter [tilespmem:s19], [sflag:$0x4], $0x4000, $0x38;
	[tilespmem:$0x1E580] =	vst v63  }
0x6c: {  	_ =	swait.ge [sflag:s20], $0x4000  }
0x6d: {  	[sflag:s20] =	ssyncset.done $0x0  }
0x6e: {  	s17 =	rddreg [dreg:$0x8];
	[sflag:s20] =	ssyncadd.s32 $0xFFFFC000  }
0x6f: {  	[spmem:s17] =	stream.linear.scatter [tilespmem:s19], [sflag:$0x4], $0x4000, $0x38;
	[tilespmem:$0x1E580] =	vst v63  }
0x70: {  	_ =	swait.ge [sflag:s20], $0x4000  }
0x71: {  	[sflag:s20] =	ssyncset.done $0x0  }
0x72: {  	[sflag:s20] =	ssyncadd.s32 $0xFFFFC000  }
0x73: {  	[bflag:$0x0] =	sbarrier.arrive $0xFFFF  }
0x74: {  	s12 =	simm.s32 $0x0;
	s17 =	simm.s32 $0x0;
	[bflag:$0x0] =	sbarrier.arrive $0xFFFF  }
.LBB2_8:
0x75: {  	s13 =	smul.u32 $0x28, s12;
	_ =	sdelay $0x1  }
0x76: {  	s13 =	sadd.s32 s10, s13  }
0x77: {  	s14 =	sshrl.u32 s13, $0x3  }
0x78: {  	s15 =	sadd.s32 s7, s14  }
0x79: {  	[tilespmem:s17], [sflag:$0x4] =	stream.linear.gather [hbm4b:s15+s17], $0x28, $0x38;
	[tilespmem:$0x1E580] =	vst v63  }
0x7a: {  	_ =	swait.ge [sflag:s20], $0x28  }
0x7b: {  	[sflag:s20] =	ssyncset.done $0x0  }
0x7c: {  	s14 =	sadd.s32 s8, s14;
	[sflag:s20] =	ssyncadd.s32 $0xFFFFFFD8  }
0x7d: {  	[tilespmem:s24], [sflag:$0x4] =	stream.linear.gather [hbm4b:s14+s17], $0x28, $0x38;
	[tilespmem:$0x1E580] =	vst v63  }
0x7e: {  	_ =	swait.ge [sflag:s20], $0x28  }
0x7f: {  	[sflag:s20] =	ssyncset.done $0x0  }
0x80: {  	s15 =	smov.u32 @p0 s14;
	[sflag:s20] =	ssyncadd.s32 $0xFFFFFFD8  }
0x81: {  	[tilespmem:s21], [sflag:$0x4] =	stream.linear.gather [hbm4b:s15+s17], $0x28, $0x38;
	[tilespmem:$0x1E580] =	vst v63  }
0x82: {  	_ =	swait.ge [sflag:s20], $0x28  }
0x83: {  	[sflag:s20] =	ssyncset.done $0x0  }
0x84: {  	[sflag:s20] =	ssyncadd.s32 $0xFFFFFFD8  }
0x85: {  	[tilespmem:s25], [sflag:$0x1] =	stream.indirect.gather [hbm4b:s1+s22], $0x80, s17, s22, $0xb8;
	[tilespmem:$0x1E580] =	vst v63  }
0x86: {  	s13 =	sshll.u32 s13, $0x4  }
0x87: {  	[tilespmem:s26], [sflag:$0x2] =	stream.indirect.gather [hbm4b:s5+s22], $0x80, s24, s22, $0xb8;
	[tilespmem:$0x1E580] =	vst v63  }
0x88: {  	s13 =	sadd.s32 s6, s13  }
0x89: {  	[tilespmem:s28], [sflag:$0x3] =	stream.linear.gather [hbm4b:s13+s17], $0x1400, $0x38;
	[tilespmem:$0x1E580] =	vst v63  }
0x8a: {  	_ =	swait.ge [sflag:s29], $0x1400  }
0x8b: {  	[sflag:s29] =	ssyncset.done $0x0  }
0x8c: {  	[sflag:s29] =	ssyncadd.s32 $0xFFFFEC00  }
0x8d: {  	_ =	swait.ge [sflag:s30], $0x1400  }
0x8e: {  	[sflag:s30] =	ssyncset.done $0x0  }
0x8f: {  	[sflag:s30] =	ssyncadd.s32 $0xFFFFEC00  }
0x90: {  	_ =	swait.ge [sflag:s31], $0x1400  }
0x91: {  	[sflag:s31] =	ssyncset.done $0x0  }
0x92: {  	s13 =	simm.s32 $0x0;
	[sflag:s31] =	ssyncadd.s32 $0xFFFFEC00  }
0x93: {  	v2 =	vld [tilespmem:s13+$0x1F0]  }
0x94: {  	v3 =	vld [tilespmem:s13+$0x15F0]  }
0x95: {  	v4 =	vld [tilespmem:s13+$0x180]  }
0x96: {  	v5 =	vld [tilespmem:s13+$0x29F0]  }
0x97: {  	v6 =	vld [tilespmem:s13+$0x1580]  }
0x98: {  	v7 =	vld [tilespmem:s13+$0x190]  }
0x99: {  	v8 =	vld [tilespmem:s13+$0x1590]  }
0x9a: {  	v9 =	vld [tilespmem:s13+$0x15A0]  }
0x9b: {  	v11 =	vld [tilespmem:s13+$0x15B0]  }
0x9c: {  	v12 =	vld [tilespmem:s13+$0x1C0]  }
0x9d: {  	v13 =	vld [tilespmem:s13+$0x1D0]  }
0x9e: {  	v14 =	vld [tilespmem:s13+$0x15D0]  }
0x9f: {  	v15 =	vld [tilespmem:s13+$0x1E0];
	v2 =	vadd.f32 v3, v2  }
0xa0: {  	v16 =	vld [tilespmem:s13+$0x15E0]  }
0xa1: {  	v17 =	vld [tilespmem:s13+$0x2980];
	v2 =	vadd.f32 v5, v2  }
0xa2: {  	v3 =	vld [tilespmem:s13+$0x1A0]  }
0xa3: {  	v5 =	vld [tilespmem:s13+$0x1B0];
	v2 =	vmax.f32 v2, $0.0e+00  }
0xa4: {  	[tilespmem:s13+$0x3DF0] =	vst v2;
	v2 =	vld [tilespmem:s13+$0x15C0]  }
0xa5: {  	v18 =	vld [tilespmem:s13+$0x2990]  }
0xa6: {  	v19 =	vld [tilespmem:s13+$0x29A0]  }
0xa7: {  	v10 =	vld [tilespmem:s13+$0x29B0];
	v4 =	vadd.f32 v6, v4;
	v20 =	vadd.f32 v8, v7  }
0xa8: {  	v21 =	vadd.f32 v9, v3;
	v9 =	vld [tilespmem:s13+$0x29C0];
	v6 =	vadd.f32 v11, v5  }
0xa9: {  	v8 =	vld [tilespmem:s13+$0x29D0];
	v5 =	vadd.f32 v2, v12;
	v12 =	vadd.f32 v17, v4  }
0xaa: {  	s14 =	simm.s32 $0x80;
	v7 =	vld [tilespmem:s13+$0x29E0];
	v11 =	vadd.f32 v18, v20;
	v4 =	vadd.f32 v14, v13  }
0xab: {  	s15 =	simm.s32 $0x400;
	v3 =	vld [tilespmem:s14+$0x1F0];
	v2 =	vadd.f32 v16, v15;
	v13 =	vmax.f32 v12, $0.0e+00;
	v12 =	vadd.f32 v19, v21  }
.LBB2_9:
0xac: {  	p1 =	sne.s32 s15, $0x4E00;
	v14 =	vld [tilespmem:s14+$0x15F0];
	[tilespmem:s13+$0x3D80] =	vst v13;
	v11 =	vmax.f32 v11, $0.0e+00;
	v6 =	vadd.f32 v10, v6  }
0xad: {  	v10 =	vld [tilespmem:s14+$0x180];
	[tilespmem:s13+$0x3D90] =	vst v11;
	v11 =	vmax.f32 v12, $0.0e+00;
	v5 =	vadd.f32 v9, v5  }
0xae: {  	v9 =	vld [tilespmem:s14+$0x29F0];
	[tilespmem:s13+$0x3DA0] =	vst v11;
	v6 =	vmax.f32 v6, $0.0e+00;
	v4 =	vadd.f32 v8, v4  }
0xaf: {  	v8 =	vld [tilespmem:s14+$0x1580];
	[tilespmem:s13+$0x3DB0] =	vst v6;
	v5 =	vmax.f32 v5, $0.0e+00;
	v2 =	vadd.f32 v7, v2  }
0xb0: {  	v6 =	vld [tilespmem:s14+$0x190];
	[tilespmem:s13+$0x3DC0] =	vst v5;
	v4 =	vmax.f32 v4, $0.0e+00  }
0xb1: {  	v5 =	vld [tilespmem:s14+$0x1590];
	v3 =	vadd.f32 v14, v3;
	[tilespmem:s13+$0x3DD0] =	vst v4;
	v2 =	vmax.f32 v2, $0.0e+00  }
0xb2: {  	v4 =	vld [tilespmem:s14+$0x1A0];
	[tilespmem:s13+$0x3DE0] =	vst v2;
	s13 =	smov.u32 s14  }
0xb3: {  	v2 =	vld [tilespmem:s13+$0x15A0];
	v3 =	vadd.f32 v9, v3  }
0xb4: {  	v7 =	vadd.f32 v8, v10;
	v8 =	vld [tilespmem:s13+$0x1B0]  }
0xb5: {  	v9 =	vld [tilespmem:s13+$0x15B0];
	v3 =	vmax.f32 v3, $0.0e+00  }
0xb6: {  	v11 =	vadd.f32 v5, v6;
	v5 =	vld [tilespmem:s13+$0x1C0];
	[tilespmem:s13+$0x3DF0] =	vst v3  }
0xb7: {  	v3 =	vld [tilespmem:s13+$0x15C0]  }
0xb8: {  	v12 =	vadd.f32 v2, v4;
	v2 =	vld [tilespmem:s13+$0x1D0]  }
0xb9: {  	v4 =	vld [tilespmem:s13+$0x15D0]  }
0xba: {  	v6 =	vadd.f32 v9, v8;
	v8 =	vld [tilespmem:s13+$0x1E0]  }
0xbb: {  	v13 =	vld [tilespmem:s13+$0x15E0]  }
0xbc: {  	v14 =	vld [tilespmem:s13+$0x2980];
	v5 =	vadd.f32 v3, v5  }
0xbd: {  	v3 =	vld [tilespmem:s13+$0x2990]  }
0xbe: {  	v15 =	vld [tilespmem:s13+$0x29A0];
	v4 =	vadd.f32 v4, v2  }
.Ltmp3:
0xbf: {  	v10 =	vld [tilespmem:s13+$0x29B0];
	(pc) =	sbr.rel @p1 .LBB2_9-.Ltmp3, $4  }
0xc0: {  	v9 =	vld [tilespmem:s13+$0x29C0];
	v2 =	vadd.f32 v13, v8  }
0xc1: {  	v13 =	vadd.f32 v14, v7;
	v8 =	vld [tilespmem:s13+$0x29D0]  }
0xc2: {  	s14 =	sshra.s32 s15, $0x2;
	v11 =	vadd.f32 v3, v11;
	v7 =	vld [tilespmem:s13+$0x29E0]  }
0xc3: {  	s15 =	sadd.s32 $0x200, s15;
	v3 =	vld [tilespmem:s14+$0x1F0];
	v13 =	vmax.f32 v13, $0.0e+00;
	v12 =	vadd.f32 v15, v12  }
0xc4: {  	v14 =	vld [tilespmem:s14+$0x15F0];
	[tilespmem:s13+$0x3D80] =	vst v13;
	v11 =	vmax.f32 v11, $0.0e+00;
	v6 =	vadd.f32 v10, v6  }
0xc5: {  	v13 =	vld [tilespmem:s14+$0x180];
	[tilespmem:s13+$0x3D90] =	vst v11;
	v47 =	vmax.f32 v12, $0.0e+00;
	v5 =	vadd.f32 v9, v5  }
0xc6: {  	v11 =	vld [tilespmem:s14+$0x29F0];
	[tilespmem:s13+$0x3DA0] =	vst v47;
	v6 =	vmax.f32 v6, $0.0e+00;
	v4 =	vadd.f32 v8, v4  }
0xc7: {  	v48 =	vld [tilespmem:s14+$0x1580];
	[tilespmem:s13+$0x3DB0] =	vst v6;
	v5 =	vmax.f32 v5, $0.0e+00;
	v2 =	vadd.f32 v7, v2  }
0xc8: {  	v6 =	vld [tilespmem:s14+$0x190];
	[tilespmem:s13+$0x3DC0] =	vst v5;
	v4 =	vmax.f32 v4, $0.0e+00  }
0xc9: {  	v5 =	vld [tilespmem:s14+$0x1590];
	[tilespmem:s13+$0x3DD0] =	vst v4;
	v2 =	vmax.f32 v2, $0.0e+00  }
0xca: {  	v4 =	vld [tilespmem:s14+$0x1A0];
	[tilespmem:s13+$0x3DE0] =	vst v2  }
0xcb: {  	v2 =	vld [tilespmem:s14+$0x15A0]  }
0xcc: {  	v49 =	vld [tilespmem:s14+$0x1B0]  }
0xcd: {  	v50 =	vld [tilespmem:s14+$0x15B0]  }
0xce: {  	v10 =	vld [tilespmem:s14+$0x1C0]  }
0xcf: {  	v51 =	vld [tilespmem:s14+$0x1D0]  }
0xd0: {  	v52 =	vld [tilespmem:s14+$0x15D0]  }
0xd1: {  	v3 =	vadd.f32 v14, v3;
	v53 =	vld [tilespmem:s14+$0x1E0]  }
0xd2: {  	v15 =	vld [tilespmem:s14+$0x15E0]  }
0xd3: {  	v3 =	vadd.f32 v11, v3;
	v16 =	vld [tilespmem:s14+$0x2980]  }
0xd4: {  	v17 =	vld [tilespmem:s14+$0x2990]  }
0xd5: {  	v18 =	vld [tilespmem:s14+$0x29A0];
	v3 =	vmax.f32 v3, $0.0e+00  }
0xd6: {  	[tilespmem:s14+$0x3DF0] =	vst v3;
	v3 =	vld [tilespmem:s14+$0x15C0]  }
0xd7: {  	v54 =	vld [tilespmem:s14+$0x29B0];
	v9 =	vadd.f32 v48, v13  }
0xd8: {  	v55 =	vld [tilespmem:s14+$0x29C0];
	v5 =	vadd.f32 v5, v6  }
0xd9: {  	v57 =	vld [tilespmem:s14+$0x29D0];
	v2 =	vadd.f32 v2, v4;
	v56 =	vadd.f32 v16, v9  }
0xda: {  	v58 =	vld [tilespmem:s14+$0x29E0];
	v7 =	vadd.f32 v50, v49;
	v5 =	vadd.f32 v17, v5  }
0xdb: {  	v2 =	vadd.f32 v18, v2;
	v4 =	vmax.f32 v56, $0.0e+00;
	v3 =	vadd.f32 v3, v10  }
0xdc: {  	v59 =	vadd.f32 v52, v51;
	v60 =	vmax.f32 v5, $0.0e+00;
	v61 =	vadd.f32 v54, v7;
	[tilespmem:s14+$0x3D80] =	vst v4  }
0xdd: {  	v62 =	vadd.f32 v15, v53;
	[tilespmem:s14+$0x3D90] =	vst v60;
	v2 =	vmax.f32 v2, $0.0e+00;
	v3 =	vadd.f32 v55, v3  }
0xde: {  	v63 =	vadd.f32 v57, v59;
	[tilespmem:s14+$0x3DA0] =	vst v2;
	v2 =	vmax.f32 v61, $0.0e+00  }
0xdf: {  	[tilespmem:s14+$0x3DB0] =	vst v2;
	v2 =	vmax.f32 v3, $0.0e+00;
	v3 =	vadd.f32 v58, v62  }
0xe0: {  	s12 =	sadd.s32 $0x1, s12;
	[tilespmem:s14+$0x3DC0] =	vst v2;
	v2 =	vmax.f32 v63, $0.0e+00  }
0xe1: {  	p1 =	sne.s32 s12, $0x1F4;
	[tilespmem:s14+$0x3DD0] =	vst v2;
	v2 =	vmax.f32 v3, $0.0e+00  }
.Ltmp4:
0xe2: {  	[tilespmem:s14+$0x3DE0] =	vst v2;
	(pc) =	sbr.rel @p1 .LBB2_8-.Ltmp4, $4  }
0xe3: {  	[spmem:s2] =	stream.indirect.scatter.add.f32 [tilespmem:s0], [sflag:$0x4], $0x80, s21, s22, $0xb8;
	[tilespmem:$0x1E580] =	vst v63  }
0xe4: {  	_ =	swait.ge [sflag:s20], $0x1400  }
0xe5: {  	[sflag:s20] =	ssyncset.done $0x0  }
0xe6: {  	[sflag:s20] =	ssyncadd.s32 $0xFFFFEC00  }
0xe7: {  	[bflag:$0x0] =	sbarrier.arrive $0xFFFF  }
0xe8: {  	s12 =	rddreg [dreg:$0xa]  }
0xe9: {  	[hbm:s12], [sflag:s11] =	dma.local [spmem:s16], $0x2800  }
0xea: {  	_ =	swait.ge [sflag:s20], $0x2800  }
0xeb: {  	s4 =	sadd.s32 $0x1, s4;
	s17 =	rddreg [dreg:$0x4]  }
0xec: {  	p1 =	sne.s32 s4, s17  }
.Ltmp5:
0xed: {  	_ = 	snop;
	(pc) =	sbr.rel @p1 .LBB2_1-.Ltmp5, $3  }
0xee: {  	_ =	sdelay $0x1  }
0xef: {  	[sflag:s20] =	ssyncset.done $0x0  }
0xf0: {  	[sflag:s20] =	ssyncadd.s32 $0xFFFFD800;
	s17 =	rddreg [dreg:$0x5]  }
0xf1: {  	_ =	sfence.sel $0x180000  }
0xf2: {  	[bflag:$0x0] =	sbarrier.arrive $0xFFFF  }
0xf3: {  	_ =	strace $0x90000047  }
0xf4: {  	s0 =	stileid.u32;
	[bflag:$0x2] =	sbarrier.arrive $0xFFFF  }
0xf5: {  	p0 =	sne.s32 s0, $0x0;
	s0 =	rddreg [dreg:$0x3]  }
0xf6: {  	s0 =	sadd.s32 @!p0 $0x100000, s0  }
0xf7: {  	[sflag:s0] =	ssyncadd.tile.s32 @!p0 $0x1;
	_ =	shalt  }
.Lfunc_end2:
_tile_overlayer_lowered:
.L_overlay_start_2:
0xf8: {  	(tag) =	ssettag $0x2  }
0xf9: {  	s0 =	rddreg [dreg:$0x0];
	s2 =	stileid.u32  }
0xfa: {  	s1 =	rddreg [dreg:$0x1];
	p0 =	sne.s32 s2, $0x0  }
0xfb: {  	s3 =	rddreg [dreg:$0x2];
	[bflag:$0x3] =	sbarrier.arrive $0xFFFF;
	s2 =	simm.s32 @!p0 $0x1C04  }
0xfc: {  	[timem:s3], [sflag:s2] =	dma.local @!p0 [hbm:s0], s1  }
0xfd: {  	s0 =	simm.s32 @!p0 $0x4  }
0xfe: {  	_ =	swait.ge @!p0 [sflag:s0], s1  }
0xff: {  	s1 =	ssub.s32 @!p0 $0x0, s1;
	[sflag:s0] =	ssyncset.done @!p0 $0x0  }
0x100: {  	[sflag:s0] =	ssyncadd.s32 @!p0 s1  }
0x101: {  	[bflag:$0x3] =	sbarrier.arrive $0xFFFF  }
0x102: {  	_ =	shalt  }

</sc_bundles>
